<compile_context>
chip_gen: v7x
topology: tpu7x:2x2x1
jax: 0.10.2.dev20260603
libtpu: 0.0.44.dev20260713+nightly
codegen_flags: <defaults>
</compile_context>

<pallas_src>
import functools

import jax
import jax.numpy as jnp
from jax import lax
from jax.experimental import pallas as pl
from jax.experimental.pallas import tpu as pltpu
from jax.experimental.pallas import tpu_sc as plsc

N = 10000
N_PAD = 10240
D = 128
BLK = 1024
NBLK = N_PAD // BLK
EPS = 1e-5

NC = 2
NS = 16
NTILES = NC * NS
CPT = D // NTILES
ECH = 6400


def _elu(v):
    return jnp.where(v > 0, v, jnp.exp(v) - 1.0)


@functools.partial(jax.jit, static_argnames=("nchunks",))
def _spmm(xT, src, dst, w, *, nchunks):
    mesh = plsc.VectorSubcoreMesh(core_axis_name="c", subcore_axis_name="s")

    def body(xT_h, src_h, dst_h, w_h, out_h,
             tmp, xpk, acc, sb0, db0, wb0, sb1, db1, wb1, sem0, sem1):
        wid = lax.axis_index("s") * NC + lax.axis_index("c")
        row0 = wid * CPT
        for p in range(CPT // 2):
            for r in range(2):
                pltpu.sync_copy(xT_h.at[row0 + 2 * p + r, :],
                                tmp.at[pl.ds(r * N_PAD, N_PAD)])

            @pl.loop(0, N_PAD // 16, unroll=4)
            def _(i):
                a = tmp[pl.ds(i * 16, 16)]
                b = tmp[pl.ds(N_PAD + i * 16, 16)]
                pk = plsc.pack(a, b, format=plsc.PackFormat.INTERLEAVED)
                xpk[pl.ds(p * N_PAD + i * 16, 16)] = plsc.bitcast(pk, jnp.int32)

        zero16 = jnp.zeros((16,), jnp.float32)

        @pl.loop(0, CPT * N_PAD // 16, unroll=4)
        def _(i):
            acc[pl.ds(i * 16, 16)] = zero16

        bufs = ((sb0, db0, wb0, sem0), (sb1, db1, wb1, sem1))

        def issue(k, b):
            sb, db, wb, sem = bufs[b]
            pltpu.async_copy(src_h.at[pl.ds(k * ECH, ECH)], sb, sem)
            pltpu.async_copy(dst_h.at[pl.ds(k * ECH, ECH)], db, sem)
            pltpu.async_copy(w_h.at[pl.ds(k * ECH, ECH)], wb, sem)

        def wait(k, b):
            sb, db, wb, sem = bufs[b]
            pltpu.make_async_copy(src_h.at[pl.ds(k * ECH, ECH)], sb, sem).wait()
            pltpu.make_async_copy(dst_h.at[pl.ds(k * ECH, ECH)], db, sem).wait()
            pltpu.make_async_copy(w_h.at[pl.ds(k * ECH, ECH)], wb, sem).wait()

        issue(0, 0)
        issue(1, 1)

        @pl.loop(0, nchunks, step=2)
        def _(k0):
            for b in range(2):
                k = k0 + b
                wait(k, b)
                sb, db, wb, _sem = bufs[b]

                @plsc.parallel_loop(0, ECH // 16, unroll=8)
                def _(j):
                    base = j * 16
                    sv = sb[pl.ds(base, 16)]
                    dv = db[pl.ds(base, 16)]
                    wv = wb[pl.ds(base, 16)]
                    for p in range(CPT // 2):
                        xp = xpk.at[pl.ds(p * N_PAD, N_PAD)]
                        gp = plsc.load_gather(xp, [sv])
                        g0, g1 = plsc.unpack(plsc.bitcast(gp, jnp.bfloat16),
                                             format=plsc.PackFormat.INTERLEAVED)
                        a0 = acc.at[pl.ds((2 * p) * N_PAD, N_PAD)]
                        a1 = acc.at[pl.ds((2 * p + 1) * N_PAD, N_PAD)]
                        plsc.addupdate_scatter(a0, [dv], g0 * wv)
                        plsc.addupdate_scatter(a1, [dv], g1 * wv)

                @pl.when(k + 2 < nchunks)
                def _():
                    issue(k + 2, b)

        for c in range(CPT):
            pltpu.sync_copy(acc.at[pl.ds(c * N_PAD, N_PAD)], out_h.at[row0 + c, :])

    spmm = pl.kernel(
        body,
        out_type=jax.ShapeDtypeStruct((D, N_PAD), jnp.float32),
        mesh=mesh,
        compiler_params=pltpu.CompilerParams(needs_layout_passes=False),
        scratch_types=[
            pltpu.VMEM((2 * N_PAD,), jnp.float32),
            pltpu.VMEM(((CPT // 2) * N_PAD,), jnp.int32),
            pltpu.VMEM((CPT * N_PAD,), jnp.float32),
            pltpu.VMEM((ECH,), jnp.int32),
            pltpu.VMEM((ECH,), jnp.int32),
            pltpu.VMEM((ECH,), jnp.float32),
            pltpu.VMEM((ECH,), jnp.int32),
            pltpu.VMEM((ECH,), jnp.int32),
            pltpu.VMEM((ECH,), jnp.float32),
            pltpu.SemaphoreType.DMA,
            pltpu.SemaphoreType.DMA,
        ],
    )
    return spmm(xT, src, dst, w)


def _mm_in(wT, hT, bcol):

    def body(w_ref, b_ref, h_ref, o_ref):
        i = pl.program_id(0)
        o = jnp.dot(w_ref[...], h_ref[...], preferred_element_type=jnp.float32)
        o = o + b_ref[:, 0:1]
        col = i * BLK + lax.broadcasted_iota(jnp.int32, (D, BLK), 1)
        o_ref[...] = jnp.where(col < N, o, 0.0)

    return pl.pallas_call(
        body,
        grid=(NBLK,),
        in_specs=[
            pl.BlockSpec((D, D), lambda i: (0, 0)),
            pl.BlockSpec((D, 128), lambda i: (0, 0)),
            pl.BlockSpec((D, BLK), lambda i: (0, i)),
        ],
        out_specs=pl.BlockSpec((D, BLK), lambda i: (0, i)),
        out_shape=jax.ShapeDtypeStruct((D, N_PAD), jnp.float32),
    )(wT, bcol, hT)


def _stats_contrib(ex, es):
    s1 = jnp.concatenate(
        [jnp.sum(ex, axis=1, keepdims=True), jnp.sum(es, axis=1, keepdims=True)], axis=0)
    q1 = jnp.concatenate(
        [jnp.sum(ex * ex, axis=1, keepdims=True), jnp.sum(es * es, axis=1, keepdims=True)],
        axis=0)
    lane = lax.broadcasted_iota(jnp.int32, (2 * D, 128), 1)
    return jnp.where(lane == 0, s1, 0.0) + jnp.where(lane == 1, q1, 0.0)


def _apply(gb, wT, bcol, xT, sT, resT):
    with_res = resT is not None

    def body(*refs):
        if with_res:
            gb_ref, w_ref, b_ref, x_ref, s_ref, r_ref, o_ref, st_scr = refs
        else:
            gb_ref, w_ref, b_ref, x_ref, s_ref, o_ref, st_scr = refs
        ph = pl.program_id(0)
        i = pl.program_id(1)

        @pl.when((ph == 0) & (i == 0))
        def _():
            st_scr[...] = jnp.zeros_like(st_scr)

        @pl.when(ph == 0)
        def _():
            st_scr[...] += _stats_contrib(_elu(x_ref[...]), _elu(s_ref[...]))

        @pl.when(ph == 1)
        def _():
            inv_n = 1.0 / N
            mean = st_scr[:, 0:1] * inv_n
            var = st_scr[:, 1:2] * inv_n - mean * mean
            scale = gb_ref[:, 0:1] * lax.rsqrt(var + EPS)
            shift = gb_ref[:, 1:2] - mean * scale
            nx = _elu(x_ref[...]) * scale[:D] + shift[:D]
            ns = _elu(s_ref[...]) * scale[D:] + shift[D:]
            o = (jnp.dot(w_ref[:, :D], nx, preferred_element_type=jnp.float32)
                 + jnp.dot(w_ref[:, D:], ns, preferred_element_type=jnp.float32))
            o = o + b_ref[:, 0:1]
            if with_res:
                o = o + refs[5][...]
            col = i * BLK + lax.broadcasted_iota(jnp.int32, (D, BLK), 1)
            o_ref[...] = jnp.where(col < N, o, 0.0)

    in_specs = [
        pl.BlockSpec((2 * D, 128), lambda p, i: (0, 0)),
        pl.BlockSpec((D, 2 * D), lambda p, i: (0, 0)),
        pl.BlockSpec((D, 128), lambda p, i: (0, 0)),
        pl.BlockSpec((D, BLK), lambda p, i: (0, i)),
        pl.BlockSpec((D, BLK), lambda p, i: (0, i)),
    ]
    args = [gb, wT, bcol, xT, sT]
    if with_res:
        in_specs.append(pl.BlockSpec((D, BLK), lambda p, i: (0, i)))
        args.append(resT)

    return pl.pallas_call(
        body,
        grid=(2, NBLK),
        in_specs=in_specs,
        out_specs=pl.BlockSpec((D, BLK), lambda p, i: (0, i * p)),
        out_shape=jax.ShapeDtypeStruct((D, N_PAD), jnp.float32),
        scratch_shapes=[pltpu.VMEM((2 * D, 128), jnp.float32)],
    )(*args)


def _final(gb1, w2T, b2col, wmuT, bmucol, xT, inT):

    def body(gb_ref, w2_ref, b2_ref, wm_ref, bm_ref, x_ref, in_ref, o_ref, st_scr):
        ph = pl.program_id(0)
        i = pl.program_id(1)

        @pl.when((ph == 0) & (i == 0))
        def _():
            st_scr[...] = jnp.zeros_like(st_scr)

        @pl.when(ph == 0)
        def _():
            ex = _elu(x_ref[...])
            s1 = jnp.sum(ex, axis=1, keepdims=True)
            q1 = jnp.sum(ex * ex, axis=1, keepdims=True)
            lane = lax.broadcasted_iota(jnp.int32, (D, 128), 1)
            st_scr[...] += jnp.where(lane == 0, s1, 0.0) + jnp.where(lane == 1, q1, 0.0)

        @pl.when(ph == 1)
        def _():
            inv_n = 1.0 / N
            mean = st_scr[:, 0:1] * inv_n
            var = st_scr[:, 1:2] * inv_n - mean * mean
            scale = gb_ref[:, 0:1] * lax.rsqrt(var + EPS)
            shift = gb_ref[:, 1:2] - mean * scale
            nx = _elu(x_ref[...]) * scale + shift
            z = jnp.dot(w2_ref[...], nx, preferred_element_type=jnp.float32) + b2_ref[:, 0:1]
            z = _elu(z)
            mu = jnp.dot(wm_ref[...], z, preferred_element_type=jnp.float32)
            o_ref[...] = mu + bm_ref[:, 0:1] + in_ref[...]

    return pl.pallas_call(
        body,
        grid=(2, NBLK),
        in_specs=[
            pl.BlockSpec((D, 128), lambda p, i: (0, 0)),
            pl.BlockSpec((D, D), lambda p, i: (0, 0)),
            pl.BlockSpec((D, 128), lambda p, i: (0, 0)),
            pl.BlockSpec((8, D), lambda p, i: (0, 0)),
            pl.BlockSpec((8, 128), lambda p, i: (0, 0)),
            pl.BlockSpec((D, BLK), lambda p, i: (0, i)),
            pl.BlockSpec((8, BLK), lambda p, i: (0, i)),
        ],
        out_specs=pl.BlockSpec((8, BLK), lambda p, i: (0, i * p)),
        out_shape=jax.ShapeDtypeStruct((8, N_PAD), jnp.float32),
        scratch_shapes=[pltpu.VMEM((D, 128), jnp.float32)],
    )(gb1, w2T, b2col, wmuT, bmucol, xT, inT)


def _col(v, rows=None):
    rows = v.shape[0] if rows is None else rows
    out = jnp.zeros((rows, 128), jnp.float32)
    return out.at[: v.shape[0], 0].set(v)


def _gbcol(g, bb):
    out = jnp.zeros((g.shape[0], 128), jnp.float32)
    return out.at[:, 0].set(g).at[:, 1].set(bb)


def kernel(inputs, noise, edge_index, edge_weight, mask, params):
    f32 = jnp.float32
    x0 = inputs[0].astype(f32)
    nz = noise[0].astype(f32)
    hcat = jnp.concatenate([x0, nz], axis=1)
    kin = hcat.shape[1]
    hcatT = jnp.zeros((D, N_PAD), f32).at[:kin, :N].set(hcat.T)
    wcat = jnp.concatenate(
        [params["conv_inputs"]["W"], params["conv_noise"]["W"]], axis=0)
    wcatT = jnp.zeros((D, D), f32).at[:, :kin].set(wcat.T)
    bsum = params["conv_inputs"]["b"] + params["conv_noise"]["b"]

    src = edge_index[1].astype(jnp.int32)
    dst = edge_index[0].astype(jnp.int32)
    w = edge_weight.astype(f32)
    nchunks = src.shape[0] // ECH

    x = _mm_in(wcatT, hcatT, _col(bsum, D))

    for i in range(5):
        p = params["rn%d" % i]
        s = _spmm(x, src, dst, w, nchunks=nchunks)
        x1 = _apply(_gbcol(p["g0"], p["bb0"]), p["W0"].T, _col(p["b0"], D), x, s, None)
        s1 = _spmm(x1, src, dst, w, nchunks=nchunks)
        x = _apply(_gbcol(p["g1"], p["bb1"]), p["W1"].T, _col(p["b1"], D), x1, s1, x)

    wmuT = jnp.zeros((8, D), f32).at[:3, :].set(params["Wmu"].T)
    bmucol = jnp.zeros((8, 128), f32).at[:3, 0].set(params["bmu"])
    inT = jnp.zeros((8, N_PAD), f32).at[:3, :N].set(x0.T)
    muT = _final(_gbcol(params["bn2_g"], params["bn2_b"]), params["W2"].T,
                 _col(params["b2"], D), wmuT, bmucol, x, inT)

    mu = muT[:3, :N].T[None]
    y = jnp.broadcast_to(params["fc_logvar"], mu.shape)
    return (mu, y)

# --- scband reference (transcript-rebuilt; emitter-appended) ---
"""Pipeline reference for scband-lap-decoder-39599598469812 (READ-ONLY COPY).

The authoritative reference and input builder live on the scoring server;
editing this copy changes nothing except your own understanding.
"""

import jax, jax.numpy as jnp
import numpy as np

B = 1
N = 10000
E = 320000
D = 128
NZ = 100
NUM_LAYERS = 5


def _dense(key, shape, fan_in):
    return jax.random.normal(key, shape, dtype=jnp.float32) / np.sqrt(fan_in)


def setup_inputs(seed: int = 0):
    key = jax.random.key(seed)
    ks = jax.random.split(key, 40)
    inputs = jax.random.normal(ks[0], (B, N, 3), dtype=jnp.float32)
    noise = jax.random.normal(ks[1], (B, N, NZ), dtype=jnp.float32)
    edge_index = jax.random.randint(ks[2], (2, E), 0, N, dtype=jnp.int32)
    edge_weight = jax.random.normal(ks[3], (E,), dtype=jnp.float32)
    mask = jnp.ones((B, N, 1), dtype=jnp.float32)
    params = {}
    params['conv_inputs'] = {'W': _dense(ks[4], (3, D), 3), 'b': jnp.zeros((D,), jnp.float32)}
    params['conv_noise'] = {'W': _dense(ks[5], (NZ, D), NZ), 'b': jnp.zeros((D,), jnp.float32)}
    for i in range(NUM_LAYERS):
        k0, k1 = jax.random.split(ks[6 + i])
        params['rn%d' % i] = {
            'g0': jnp.ones((2 * D,), jnp.float32), 'bb0': jnp.zeros((2 * D,), jnp.float32),
            'W0': _dense(k0, (2 * D, D), 2 * D), 'b0': jnp.zeros((D,), jnp.float32),
            'g1': jnp.ones((2 * D,), jnp.float32), 'bb1': jnp.zeros((2 * D,), jnp.float32),
            'W1': _dense(k1, (2 * D, D), 2 * D), 'b1': jnp.zeros((D,), jnp.float32),
        }
    params['bn2_g'] = jnp.ones((D,), jnp.float32)
    params['bn2_b'] = jnp.zeros((D,), jnp.float32)
    params['W2'] = _dense(ks[20], (D, D), D)
    params['b2'] = jnp.zeros((D,), jnp.float32)
    params['Wmu'] = _dense(ks[21], (D, 3), D)
    params['bmu'] = jnp.zeros((3,), jnp.float32)
    params['fc_logvar'] = jnp.zeros((1, 1, 1), jnp.float32)
    return {'inputs': inputs, 'noise': noise, 'edge_index': edge_index,
            'edge_weight': edge_weight, 'mask': mask, 'params': params}


def graph_bn(x, gamma, beta, eps=1e-5):
    # GraphBatchNorm: BatchNorm1d over all (batch*node) positions, training-mode stats
    mean = jnp.mean(x, axis=(0, 1), keepdims=True)
    var = jnp.var(x, axis=(0, 1), keepdims=True)
    return gamma * (x - mean) / jnp.sqrt(var + eps) + beta


def sparse_bmm(edge_index, edge_weight, x):
    # L @ x where L is COO: row=edge_index[0], col=edge_index[1]; x: [B, N, C] with B=1
    src = edge_index[1]
    dst = edge_index[0]
    gathered = jnp.take(x[0], src, axis=0) * edge_weight[:, None]
    out = jax.ops.segment_sum(gathered, dst, num_segments=x.shape[1])
    return out[None]


def conv1x1(x, W, b, gamma=None, beta=None):
    # GraphConv1x1 (batch_norm='pre' when gamma is given)
    if gamma is not None:
        x = graph_bn(x, gamma, beta)
    return x @ W + b


def lap_resnet2(edge_index, edge_weight, mask, x, p):
    inp = x
    x = jnp.concatenate([x, sparse_bmm(edge_index, edge_weight, x)], axis=2)
    x = jax.nn.elu(x)
    x = conv1x1(x, p['W0'], p['b0'], p['g0'], p['bb0'])
    x = jnp.concatenate([x, sparse_bmm(edge_index, edge_weight, x)], axis=2)
    x = jax.nn.elu(x)
    x = conv1x1(x, p['W1'], p['b1'], p['g1'], p['bb1'])
    return x + inp


def reference(inputs, noise, edge_index, edge_weight, mask, params):
    x = conv1x1(inputs, params['conv_inputs']['W'], params['conv_inputs']['b']) + \
        conv1x1(noise, params['conv_noise']['W'], params['conv_noise']['b'])
    for i in range(NUM_LAYERS):
        x = lap_resnet2(edge_index, edge_weight, mask, x, params['rn%d' % i])
    x = jax.nn.elu(x)
    x = conv1x1(x, params['W2'], params['b2'], params['bn2_g'], params['bn2_b'])
    x = jax.nn.elu(x)
    mu = conv1x1(x, params['Wmu'], params['bmu'])
    y = jnp.broadcast_to(params['fc_logvar'], mu.shape)
    return (mu + inputs, y)

if __name__ == "__main__":
    import jax
    _d = setup_inputs()
    print(jax.jit(kernel)(*tuple(_d.values())))

</pallas_src>

<mosaic_0001>
#map = affine_map<(d0, d1) -> (0, 0)>
#map1 = affine_map<(d0, d1) -> (0)>
module attributes {stable_mosaic.version = 14 : i64} {
  func.func @body(%arg0: i32, %arg1: i32, %arg2: memref<128x10240xf32, #tpu.memory_space<hbm>>, %arg3: memref<320000xi32, #tpu.memory_space<hbm>>, %arg4: memref<320000xi32, #tpu.memory_space<hbm>>, %arg5: memref<320000xf32, #tpu.memory_space<hbm>>, %arg6: memref<128x10240xf32, #tpu.memory_space<hbm>>, %arg7: memref<20480xf32, #tpu.memory_space<vmem>>, %arg8: memref<20480xi32, #tpu.memory_space<vmem>>, %arg9: memref<40960xf32, #tpu.memory_space<vmem>>, %arg10: memref<6400xi32, #tpu.memory_space<vmem>>, %arg11: memref<6400xi32, #tpu.memory_space<vmem>>, %arg12: memref<6400xf32, #tpu.memory_space<vmem>>, %arg13: memref<6400xi32, #tpu.memory_space<vmem>>, %arg14: memref<6400xi32, #tpu.memory_space<vmem>>, %arg15: memref<6400xf32, #tpu.memory_space<vmem>>, %arg16: memref<!tpu.dma_semaphore, #tpu.memory_space<semaphore_mem>>, %arg17: memref<!tpu.dma_semaphore, #tpu.memory_space<semaphore_mem>>) attributes {dimension_semantics = [#tpu.dimension_semantics<core_parallel>, #tpu.dimension_semantics<subcore_parallel>], iteration_bounds = array<i64: 2, 16>, scalar_prefetch = 0 : i64, scratch_operands = 11 : i64, tpu.core_type = #tpu.core_type<sc_vector_subcore>, window_params = [{transform_indices = #map}, {transform_indices = #map1}, {transform_indices = #map1}, {transform_indices = #map1}, {transform_indices = #map}]} {
    %mul3A = arith.constant 2 : i32
    %mul3A_0 = arith.muli %arg1, %mul3A : i32
    %add3A = arith.addi %mul3A_0, %arg0 : i32
    %mul3A_1 = arith.constant 4 : i32
    %mul3A_2 = arith.muli %add3A, %mul3A_1 : i32
    %add3A_3 = arith.constant 0 : i32
    %add3A_4 = arith.addi %mul3A_2, %add3A_3 : i32
    %add3A_5 = arith.constant 0 : i32
    %add3A_6 = arith.addi %add3A_4, %add3A_5 : i32
    "tpu.region"() ({
      %run_scoped3A = tpu.sem_alloc : memref<!tpu.dma_semaphore, #tpu.memory_space<semaphore_mem>>
      %dma_start3A_70 = arith.constant 0 : i32
      %dma_start3A_71 = tpu.memref_slice %arg7[%dma_start3A_70] : memref<20480xf32, #tpu.memory_space<vmem>> -> memref<10240xf32, #tpu.memory_space<vmem>>
      %dma_start3A_72 = arith.constant 0 : i32
      %dma_start3A_73 = tpu.memref_slice %arg2[%add3A_6, %dma_start3A_72] : memref<128x10240xf32, #tpu.memory_space<hbm>> -> memref<1x10240xf32, #tpu.memory_space<hbm>>
      %dma_start3A_74 = tpu.memref_squeeze %dma_start3A_73 : memref<1x10240xf32, #tpu.memory_space<hbm>> -> memref<10240xf32, #tpu.memory_space<hbm>>
      %dma_start3A_75 = arith.constant 0 : i32
      %dma_start3A_76 = tpu.memref_slice %arg7[%dma_start3A_75] : memref<20480xf32, #tpu.memory_space<vmem>> -> memref<10240xf32, #tpu.memory_space<vmem>>
      %dma_start3A_77 = arith.constant 0 : i32
      %dma_start3A_78 = tpu.memref_slice %arg2[%add3A_6, %dma_start3A_77] : memref<128x10240xf32, #tpu.memory_space<hbm>> -> memref<1x10240xf32, #tpu.memory_space<hbm>>
      %dma_start3A_79 = tpu.memref_squeeze %dma_start3A_78 : memref<1x10240xf32, #tpu.memory_space<hbm>> -> memref<10240xf32, #tpu.memory_space<hbm>>
      tpu.enqueue_dma source(%dma_start3A_79 : memref<10240xf32, #tpu.memory_space<hbm>>) target(%dma_start3A_76 : memref<10240xf32, #tpu.memory_space<vmem>>) target_semaphore(%run_scoped3A : memref<!tpu.dma_semaphore, #tpu.memory_space<semaphore_mem>>)
      %dma_wait3A = arith.constant 0 : i32
      %dma_wait3A_80 = tpu.memref_slice %arg7[%dma_wait3A] : memref<20480xf32, #tpu.memory_space<vmem>> -> memref<10240xf32, #tpu.memory_space<vmem>>
      %dma_wait3A_81 = arith.constant 0 : i32
      %dma_wait3A_82 = tpu.memref_slice %arg2[%add3A_6, %dma_wait3A_81] : memref<128x10240xf32, #tpu.memory_space<hbm>> -> memref<1x10240xf32, #tpu.memory_space<hbm>>
      %dma_wait3A_83 = tpu.memref_squeeze %dma_wait3A_82 : memref<1x10240xf32, #tpu.memory_space<hbm>> -> memref<10240xf32, #tpu.memory_space<hbm>>
      %dma_wait3A_84 = arith.constant 0 : i32
      %dma_wait3A_85 = tpu.memref_slice %arg7[%dma_wait3A_84] : memref<20480xf32, #tpu.memory_space<vmem>> -> memref<10240xf32, #tpu.memory_space<vmem>>
      %dma_wait3A_86 = arith.constant 0 : i32
      %dma_wait3A_87 = tpu.memref_slice %arg2[%add3A_6, %dma_wait3A_86] : memref<128x10240xf32, #tpu.memory_space<hbm>> -> memref<1x10240xf32, #tpu.memory_space<hbm>>
      %dma_wait3A_88 = tpu.memref_squeeze %dma_wait3A_87 : memref<1x10240xf32, #tpu.memory_space<hbm>> -> memref<10240xf32, #tpu.memory_space<hbm>>
      tpu.wait_dma2 semaphore(%run_scoped3A : memref<!tpu.dma_semaphore, #tpu.memory_space<semaphore_mem>>) src(%dma_wait3A_88 : memref<10240xf32, #tpu.memory_space<hbm>>) dst(%dma_wait3A_85 : memref<10240xf32, #tpu.memory_space<vmem>>)
      tpu.yield
    }) : () -> ()
    %add3A_7 = arith.constant 0 : i32
    %add3A_8 = arith.addi %mul3A_2, %add3A_7 : i32
    %add3A_9 = arith.constant 1 : i32
    %add3A_10 = arith.addi %add3A_8, %add3A_9 : i32
    "tpu.region"() ({
      %run_scoped3A = tpu.sem_alloc : memref<!tpu.dma_semaphore, #tpu.memory_space<semaphore_mem>>
      %dma_start3A_70 = arith.constant 10240 : i32
      %dma_start3A_71 = tpu.memref_slice %arg7[%dma_start3A_70] : memref<20480xf32, #tpu.memory_space<vmem>> -> memref<10240xf32, #tpu.memory_space<vmem>>
      %dma_start3A_72 = arith.constant 0 : i32
      %dma_start3A_73 = tpu.memref_slice %arg2[%add3A_10, %dma_start3A_72] : memref<128x10240xf32, #tpu.memory_space<hbm>> -> memref<1x10240xf32, #tpu.memory_space<hbm>>
      %dma_start3A_74 = tpu.memref_squeeze %dma_start3A_73 : memref<1x10240xf32, #tpu.memory_space<hbm>> -> memref<10240xf32, #tpu.memory_space<hbm>>
      %dma_start3A_75 = arith.constant 10240 : i32
      %dma_start3A_76 = tpu.memref_slice %arg7[%dma_start3A_75] : memref<20480xf32, #tpu.memory_space<vmem>> -> memref<10240xf32, #tpu.memory_space<vmem>>
      %dma_start3A_77 = arith.constant 0 : i32
      %dma_start3A_78 = tpu.memref_slice %arg2[%add3A_10, %dma_start3A_77] : memref<128x10240xf32, #tpu.memory_space<hbm>> -> memref<1x10240xf32, #tpu.memory_space<hbm>>
      %dma_start3A_79 = tpu.memref_squeeze %dma_start3A_78 : memref<1x10240xf32, #tpu.memory_space<hbm>> -> memref<10240xf32, #tpu.memory_space<hbm>>
      tpu.enqueue_dma source(%dma_start3A_79 : memref<10240xf32, #tpu.memory_space<hbm>>) target(%dma_start3A_76 : memref<10240xf32, #tpu.memory_space<vmem>>) target_semaphore(%run_scoped3A : memref<!tpu.dma_semaphore, #tpu.memory_space<semaphore_mem>>)
      %dma_wait3A = arith.constant 10240 : i32
      %dma_wait3A_80 = tpu.memref_slice %arg7[%dma_wait3A] : memref<20480xf32, #tpu.memory_space<vmem>> -> memref<10240xf32, #tpu.memory_space<vmem>>
      %dma_wait3A_81 = arith.constant 0 : i32
      %dma_wait3A_82 = tpu.memref_slice %arg2[%add3A_10, %dma_wait3A_81] : memref<128x10240xf32, #tpu.memory_space<hbm>> -> memref<1x10240xf32, #tpu.memory_space<hbm>>
      %dma_wait3A_83 = tpu.memref_squeeze %dma_wait3A_82 : memref<1x10240xf32, #tpu.memory_space<hbm>> -> memref<10240xf32, #tpu.memory_space<hbm>>
      %dma_wait3A_84 = arith.constant 10240 : i32
      %dma_wait3A_85 = tpu.memref_slice %arg7[%dma_wait3A_84] : memref<20480xf32, #tpu.memory_space<vmem>> -> memref<10240xf32, #tpu.memory_space<vmem>>
      %dma_wait3A_86 = arith.constant 0 : i32
      %dma_wait3A_87 = tpu.memref_slice %arg2[%add3A_10, %dma_wait3A_86] : memref<128x10240xf32, #tpu.memory_space<hbm>> -> memref<1x10240xf32, #tpu.memory_space<hbm>>
      %dma_wait3A_88 = tpu.memref_squeeze %dma_wait3A_87 : memref<1x10240xf32, #tpu.memory_space<hbm>> -> memref<10240xf32, #tpu.memory_space<hbm>>
      tpu.wait_dma2 semaphore(%run_scoped3A : memref<!tpu.dma_semaphore, #tpu.memory_space<semaphore_mem>>) src(%dma_wait3A_88 : memref<10240xf32, #tpu.memory_space<hbm>>) dst(%dma_wait3A_85 : memref<10240xf32, #tpu.memory_space<vmem>>)
      tpu.yield
    }) : () -> ()
    %scan3A = arith.constant 0 : i32
    %scan3A_11 = arith.constant 640 : i32
    %scan3A_12 = arith.addi %scan3A, %scan3A_11 : i32
    %scan3A_13 = arith.constant 4 : i32
    scf.for %scan3A_70 = %scan3A to %scan3A_12 step %scan3A_13  : i32 {
      %mul3A_71 = arith.constant 1 : i32
      %mul3A_72 = arith.muli %scan3A_70, %mul3A_71 : i32
      %add3A_73 = arith.constant 0 : i32
      %add3A_74 = arith.addi %add3A_73, %mul3A_72 : i32
      %mul3A_75 = arith.constant 16 : i32
      %mul3A_76 = arith.muli %add3A_74, %mul3A_75 : i32
      %get3A = arith.index_cast %mul3A_76 : i32 to index
      %get3A_77 = tpu.vector_load %arg7[%get3A] {strides = array<i32>} : memref<20480xf32, #tpu.memory_space<vmem>>, vector<16xf32>,
      %mul3A_78 = arith.constant 16 : i32
      %mul3A_79 = arith.muli %add3A_74, %mul3A_78 : i32
      %add3A_80 = arith.constant 10240 : i32
      %add3A_81 = arith.addi %add3A_80, %mul3A_79 : i32
      %get3A_82 = arith.index_cast %add3A_81 : i32 to index
      %get3A_83 = tpu.vector_load %arg7[%get3A_82] {strides = array<i32>} : memref<20480xf32, #tpu.memory_space<vmem>>, vector<16xf32>,
      %pack3A = tpu.pack_subelements %get3A_77, %get3A_83 {pack_format = #tpu.pack_format<interleaved>, positions = array<i32: 0, 1>} : vector<16xf32>, vector<16xf32> -> vector<32xbf16>
      %bitcast3A = vector.bitcast %pack3A : vector<32xbf16> to vector<16xi32>
      %mul3A_84 = arith.constant 16 : i32
      %mul3A_85 = arith.muli %add3A_74, %mul3A_84 : i32
      %add3A_86 = arith.constant 0 : i32
      %add3A_87 = arith.addi %add3A_86, %mul3A_85 : i32
      %swap3A = arith.index_cast %add3A_87 : i32 to index
      %swap3A_88 = tpu.vector_load %arg8[%swap3A] {strides = array<i32>} : memref<20480xi32, #tpu.memory_space<vmem>>, vector<16xi32>,
      tpu.vector_store %arg8[%swap3A], %bitcast3A {strides = array<i32>} : memref<20480xi32, #tpu.memory_space<vmem>>, vector<16xi32>,
      %scan3A_89 = arith.constant 1 : i32
      %scan3A_90 = arith.addi %scan3A_70, %scan3A_89 : i32
      %mul3A_91 = arith.constant 1 : i32
      %mul3A_92 = arith.muli %scan3A_90, %mul3A_91 : i32
      %add3A_93 = arith.constant 0 : i32
      %add3A_94 = arith.addi %add3A_93, %mul3A_92 : i32
      %mul3A_95 = arith.constant 16 : i32
      %mul3A_96 = arith.muli %add3A_94, %mul3A_95 : i32
      %get3A_97 = arith.index_cast %mul3A_96 : i32 to index
      %get3A_98 = tpu.vector_load %arg7[%get3A_97] {strides = array<i32>} : memref<20480xf32, #tpu.memory_space<vmem>>, vector<16xf32>,
      %mul3A_99 = arith.constant 16 : i32
      %mul3A_100 = arith.muli %add3A_94, %mul3A_99 : i32
      %add3A_101 = arith.constant 10240 : i32
      %add3A_102 = arith.addi %add3A_101, %mul3A_100 : i32
      %get3A_103 = arith.index_cast %add3A_102 : i32 to index
      %get3A_104 = tpu.vector_load %arg7[%get3A_103] {strides = array<i32>} : memref<20480xf32, #tpu.memory_space<vmem>>, vector<16xf32>,
      %pack3A_105 = tpu.pack_subelements %get3A_98, %get3A_104 {pack_format = #tpu.pack_format<interleaved>, positions = array<i32: 0, 1>} : vector<16xf32>, vector<16xf32> -> vector<32xbf16>
      %bitcast3A_106 = vector.bitcast %pack3A_105 : vector<32xbf16> to vector<16xi32>
      %mul3A_107 = arith.constant 16 : i32
      %mul3A_108 = arith.muli %add3A_94, %mul3A_107 : i32
      %add3A_109 = arith.constant 0 : i32
      %add3A_110 = arith.addi %add3A_109, %mul3A_108 : i32
      %swap3A_111 = arith.index_cast %add3A_110 : i32 to index
      %swap3A_112 = tpu.vector_load %arg8[%swap3A_111] {strides = array<i32>} : memref<20480xi32, #tpu.memory_space<vmem>>, vector<16xi32>,
      tpu.vector_store %arg8[%swap3A_111], %bitcast3A_106 {strides = array<i32>} : memref<20480xi32, #tpu.memory_space<vmem>>, vector<16xi32>,
      %scan3A_113 = arith.constant 2 : i32
      %scan3A_114 = arith.addi %scan3A_70, %scan3A_113 : i32
      %mul3A_115 = arith.constant 1 : i32
      %mul3A_116 = arith.muli %scan3A_114, %mul3A_115 : i32
      %add3A_117 = arith.constant 0 : i32
      %add3A_118 = arith.addi %add3A_117, %mul3A_116 : i32
      %mul3A_119 = arith.constant 16 : i32
      %mul3A_120 = arith.muli %add3A_118, %mul3A_119 : i32
      %get3A_121 = arith.index_cast %mul3A_120 : i32 to index
      %get3A_122 = tpu.vector_load %arg7[%get3A_121] {strides = array<i32>} : memref<20480xf32, #tpu.memory_space<vmem>>, vector<16xf32>,
      %mul3A_123 = arith.constant 16 : i32
      %mul3A_124 = arith.muli %add3A_118, %mul3A_123 : i32
      %add3A_125 = arith.constant 10240 : i32
      %add3A_126 = arith.addi %add3A_125, %mul3A_124 : i32
      %get3A_127 = arith.index_cast %add3A_126 : i32 to index
      %get3A_128 = tpu.vector_load %arg7[%get3A_127] {strides = array<i32>} : memref<20480xf32, #tpu.memory_space<vmem>>, vector<16xf32>,
      %pack3A_129 = tpu.pack_subelements %get3A_122, %get3A_128 {pack_format = #tpu.pack_format<interleaved>, positions = array<i32: 0, 1>} : vector<16xf32>, vector<16xf32> -> vector<32xbf16>
      %bitcast3A_130 = vector.bitcast %pack3A_129 : vector<32xbf16> to vector<16xi32>
      %mul3A_131 = arith.constant 16 : i32
      %mul3A_132 = arith.muli %add3A_118, %mul3A_131 : i32
      %add3A_133 = arith.constant 0 : i32
      %add3A_134 = arith.addi %add3A_133, %mul3A_132 : i32
      %swap3A_135 = arith.index_cast %add3A_134 : i32 to index
      %swap3A_136 = tpu.vector_load %arg8[%swap3A_135] {strides = array<i32>} : memref<20480xi32, #tpu.memory_space<vmem>>, vector<16xi32>,
      tpu.vector_store %arg8[%swap3A_135], %bitcast3A_130 {strides = array<i32>} : memref<20480xi32, #tpu.memory_space<vmem>>, vector<16xi32>,
      %scan3A_137 = arith.constant 3 : i32
      %scan3A_138 = arith.addi %scan3A_70, %scan3A_137 : i32
      %mul3A_139 = arith.constant 1 : i32
      %mul3A_140 = arith.muli %scan3A_138, %mul3A_139 : i32
      %add3A_141 = arith.constant 0 : i32
      %add3A_142 = arith.addi %add3A_141, %mul3A_140 : i32
      %mul3A_143 = arith.constant 16 : i32
      %mul3A_144 = arith.muli %add3A_142, %mul3A_143 : i32
      %get3A_145 = arith.index_cast %mul3A_144 : i32 to index
      %get3A_146 = tpu.vector_load %arg7[%get3A_145] {strides = array<i32>} : memref<20480xf32, #tpu.memory_space<vmem>>, vector<16xf32>,
      %mul3A_147 = arith.constant 16 : i32
      %mul3A_148 = arith.muli %add3A_142, %mul3A_147 : i32
      %add3A_149 = arith.constant 10240 : i32
      %add3A_150 = arith.addi %add3A_149, %mul3A_148 : i32
      %get3A_151 = arith.index_cast %add3A_150 : i32 to index
      %get3A_152 = tpu.vector_load %arg7[%get3A_151] {strides = array<i32>} : memref<20480xf32, #tpu.memory_space<vmem>>, vector<16xf32>,
      %pack3A_153 = tpu.pack_subelements %get3A_146, %get3A_152 {pack_format = #tpu.pack_format<interleaved>, positions = array<i32: 0, 1>} : vector<16xf32>, vector<16xf32> -> vector<32xbf16>
      %bitcast3A_154 = vector.bitcast %pack3A_153 : vector<32xbf16> to vector<16xi32>
      %mul3A_155 = arith.constant 16 : i32
      %mul3A_156 = arith.muli %add3A_142, %mul3A_155 : i32
      %add3A_157 = arith.constant 0 : i32
      %add3A_158 = arith.addi %add3A_157, %mul3A_156 : i32
      %swap3A_159 = arith.index_cast %add3A_158 : i32 to index
      %swap3A_160 = tpu.vector_load %arg8[%swap3A_159] {strides = array<i32>} : memref<20480xi32, #tpu.memory_space<vmem>>, vector<16xi32>,
      tpu.vector_store %arg8[%swap3A_159], %bitcast3A_154 {strides = array<i32>} : memref<20480xi32, #tpu.memory_space<vmem>>, vector<16xi32>,
    }
    %scan3A_14 = arith.constant 640 : i32
    %add3A_15 = arith.constant 2 : i32
    %add3A_16 = arith.addi %mul3A_2, %add3A_15 : i32
    %add3A_17 = arith.constant 0 : i32
    %add3A_18 = arith.addi %add3A_16, %add3A_17 : i32
    "tpu.region"() ({
      %run_scoped3A = tpu.sem_alloc : memref<!tpu.dma_semaphore, #tpu.memory_space<semaphore_mem>>
      %dma_start3A_70 = arith.constant 0 : i32
      %dma_start3A_71 = tpu.memref_slice %arg7[%dma_start3A_70] : memref<20480xf32, #tpu.memory_space<vmem>> -> memref<10240xf32, #tpu.memory_space<vmem>>
      %dma_start3A_72 = arith.constant 0 : i32
      %dma_start3A_73 = tpu.memref_slice %arg2[%add3A_18, %dma_start3A_72] : memref<128x10240xf32, #tpu.memory_space<hbm>> -> memref<1x10240xf32, #tpu.memory_space<hbm>>
      %dma_start3A_74 = tpu.memref_squeeze %dma_start3A_73 : memref<1x10240xf32, #tpu.memory_space<hbm>> -> memref<10240xf32, #tpu.memory_space<hbm>>
      %dma_start3A_75 = arith.constant 0 : i32
      %dma_start3A_76 = tpu.memref_slice %arg7[%dma_start3A_75] : memref<20480xf32, #tpu.memory_space<vmem>> -> memref<10240xf32, #tpu.memory_space<vmem>>
      %dma_start3A_77 = arith.constant 0 : i32
      %dma_start3A_78 = tpu.memref_slice %arg2[%add3A_18, %dma_start3A_77] : memref<128x10240xf32, #tpu.memory_space<hbm>> -> memref<1x10240xf32, #tpu.memory_space<hbm>>
      %dma_start3A_79 = tpu.memref_squeeze %dma_start3A_78 : memref<1x10240xf32, #tpu.memory_space<hbm>> -> memref<10240xf32, #tpu.memory_space<hbm>>
      tpu.enqueue_dma source(%dma_start3A_79 : memref<10240xf32, #tpu.memory_space<hbm>>) target(%dma_start3A_76 : memref<10240xf32, #tpu.memory_space<vmem>>) target_semaphore(%run_scoped3A : memref<!tpu.dma_semaphore, #tpu.memory_space<semaphore_mem>>)
      %dma_wait3A = arith.constant 0 : i32
      %dma_wait3A_80 = tpu.memref_slice %arg7[%dma_wait3A] : memref<20480xf32, #tpu.memory_space<vmem>> -> memref<10240xf32, #tpu.memory_space<vmem>>
      %dma_wait3A_81 = arith.constant 0 : i32
      %dma_wait3A_82 = tpu.memref_slice %arg2[%add3A_18, %dma_wait3A_81] : memref<128x10240xf32, #tpu.memory_space<hbm>> -> memref<1x10240xf32, #tpu.memory_space<hbm>>
      %dma_wait3A_83 = tpu.memref_squeeze %dma_wait3A_82 : memref<1x10240xf32, #tpu.memory_space<hbm>> -> memref<10240xf32, #tpu.memory_space<hbm>>
      %dma_wait3A_84 = arith.constant 0 : i32
      %dma_wait3A_85 = tpu.memref_slice %arg7[%dma_wait3A_84] : memref<20480xf32, #tpu.memory_space<vmem>> -> memref<10240xf32, #tpu.memory_space<vmem>>
      %dma_wait3A_86 = arith.constant 0 : i32
      %dma_wait3A_87 = tpu.memref_slice %arg2[%add3A_18, %dma_wait3A_86] : memref<128x10240xf32, #tpu.memory_space<hbm>> -> memref<1x10240xf32, #tpu.memory_space<hbm>>
      %dma_wait3A_88 = tpu.memref_squeeze %dma_wait3A_87 : memref<1x10240xf32, #tpu.memory_space<hbm>> -> memref<10240xf32, #tpu.memory_space<hbm>>
      tpu.wait_dma2 semaphore(%run_scoped3A : memref<!tpu.dma_semaphore, #tpu.memory_space<semaphore_mem>>) src(%dma_wait3A_88 : memref<10240xf32, #tpu.memory_space<hbm>>) dst(%dma_wait3A_85 : memref<10240xf32, #tpu.memory_space<vmem>>)
      tpu.yield
    }) : () -> ()
    %add3A_19 = arith.constant 2 : i32
    %add3A_20 = arith.addi %mul3A_2, %add3A_19 : i32
    %add3A_21 = arith.constant 1 : i32
    %add3A_22 = arith.addi %add3A_20, %add3A_21 : i32
    "tpu.region"() ({
      %run_scoped3A = tpu.sem_alloc : memref<!tpu.dma_semaphore, #tpu.memory_space<semaphore_mem>>
      %dma_start3A_70 = arith.constant 10240 : i32
      %dma_start3A_71 = tpu.memref_slice %arg7[%dma_start3A_70] : memref<20480xf32, #tpu.memory_space<vmem>> -> memref<10240xf32, #tpu.memory_space<vmem>>
      %dma_start3A_72 = arith.constant 0 : i32
      %dma_start3A_73 = tpu.memref_slice %arg2[%add3A_22, %dma_start3A_72] : memref<128x10240xf32, #tpu.memory_space<hbm>> -> memref<1x10240xf32, #tpu.memory_space<hbm>>
      %dma_start3A_74 = tpu.memref_squeeze %dma_start3A_73 : memref<1x10240xf32, #tpu.memory_space<hbm>> -> memref<10240xf32, #tpu.memory_space<hbm>>
      %dma_start3A_75 = arith.constant 10240 : i32
      %dma_start3A_76 = tpu.memref_slice %arg7[%dma_start3A_75] : memref<20480xf32, #tpu.memory_space<vmem>> -> memref<10240xf32, #tpu.memory_space<vmem>>
      %dma_start3A_77 = arith.constant 0 : i32
      %dma_start3A_78 = tpu.memref_slice %arg2[%add3A_22, %dma_start3A_77] : memref<128x10240xf32, #tpu.memory_space<hbm>> -> memref<1x10240xf32, #tpu.memory_space<hbm>>
      %dma_start3A_79 = tpu.memref_squeeze %dma_start3A_78 : memref<1x10240xf32, #tpu.memory_space<hbm>> -> memref<10240xf32, #tpu.memory_space<hbm>>
      tpu.enqueue_dma source(%dma_start3A_79 : memref<10240xf32, #tpu.memory_space<hbm>>) target(%dma_start3A_76 : memref<10240xf32, #tpu.memory_space<vmem>>) target_semaphore(%run_scoped3A : memref<!tpu.dma_semaphore, #tpu.memory_space<semaphore_mem>>)
      %dma_wait3A = arith.constant 10240 : i32
      %dma_wait3A_80 = tpu.memref_slice %arg7[%dma_wait3A] : memref<20480xf32, #tpu.memory_space<vmem>> -> memref<10240xf32, #tpu.memory_space<vmem>>
      %dma_wait3A_81 = arith.constant 0 : i32
      %dma_wait3A_82 = tpu.memref_slice %arg2[%add3A_22, %dma_wait3A_81] : memref<128x10240xf32, #tpu.memory_space<hbm>> -> memref<1x10240xf32, #tpu.memory_space<hbm>>
      %dma_wait3A_83 = tpu.memref_squeeze %dma_wait3A_82 : memref<1x10240xf32, #tpu.memory_space<hbm>> -> memref<10240xf32, #tpu.memory_space<hbm>>
      %dma_wait3A_84 = arith.constant 10240 : i32
      %dma_wait3A_85 = tpu.memref_slice %arg7[%dma_wait3A_84] : memref<20480xf32, #tpu.memory_space<vmem>> -> memref<10240xf32, #tpu.memory_space<vmem>>
      %dma_wait3A_86 = arith.constant 0 : i32
      %dma_wait3A_87 = tpu.memref_slice %arg2[%add3A_22, %dma_wait3A_86] : memref<128x10240xf32, #tpu.memory_space<hbm>> -> memref<1x10240xf32, #tpu.memory_space<hbm>>
      %dma_wait3A_88 = tpu.memref_squeeze %dma_wait3A_87 : memref<1x10240xf32, #tpu.memory_space<hbm>> -> memref<10240xf32, #tpu.memory_space<hbm>>
      tpu.wait_dma2 semaphore(%run_scoped3A : memref<!tpu.dma_semaphore, #tpu.memory_space<semaphore_mem>>) src(%dma_wait3A_88 : memref<10240xf32, #tpu.memory_space<hbm>>) dst(%dma_wait3A_85 : memref<10240xf32, #tpu.memory_space<vmem>>)
      tpu.yield
    }) : () -> ()
    %scan3A_23 = arith.constant 0 : i32
    %scan3A_24 = arith.constant 640 : i32
    %scan3A_25 = arith.addi %scan3A_23, %scan3A_24 : i32
    %scan3A_26 = arith.constant 4 : i32
    scf.for %scan3A_70 = %scan3A_23 to %scan3A_25 step %scan3A_26  : i32 {
      %mul3A_71 = arith.constant 1 : i32
      %mul3A_72 = arith.muli %scan3A_70, %mul3A_71 : i32
      %add3A_73 = arith.constant 0 : i32
      %add3A_74 = arith.addi %add3A_73, %mul3A_72 : i32
      %mul3A_75 = arith.constant 16 : i32
      %mul3A_76 = arith.muli %add3A_74, %mul3A_75 : i32
      %get3A = arith.index_cast %mul3A_76 : i32 to index
      %get3A_77 = tpu.vector_load %arg7[%get3A] {strides = array<i32>} : memref<20480xf32, #tpu.memory_space<vmem>>, vector<16xf32>,
      %mul3A_78 = arith.constant 16 : i32
      %mul3A_79 = arith.muli %add3A_74, %mul3A_78 : i32
      %add3A_80 = arith.constant 10240 : i32
      %add3A_81 = arith.addi %add3A_80, %mul3A_79 : i32
      %get3A_82 = arith.index_cast %add3A_81 : i32 to index
      %get3A_83 = tpu.vector_load %arg7[%get3A_82] {strides = array<i32>} : memref<20480xf32, #tpu.memory_space<vmem>>, vector<16xf32>,
      %pack3A = tpu.pack_subelements %get3A_77, %get3A_83 {pack_format = #tpu.pack_format<interleaved>, positions = array<i32: 0, 1>} : vector<16xf32>, vector<16xf32> -> vector<32xbf16>
      %bitcast3A = vector.bitcast %pack3A : vector<32xbf16> to vector<16xi32>
      %mul3A_84 = arith.constant 16 : i32
      %mul3A_85 = arith.muli %add3A_74, %mul3A_84 : i32
      %add3A_86 = arith.constant 10240 : i32
      %add3A_87 = arith.addi %add3A_86, %mul3A_85 : i32
      %swap3A = arith.index_cast %add3A_87 : i32 to index
      %swap3A_88 = tpu.vector_load %arg8[%swap3A] {strides = array<i32>} : memref<20480xi32, #tpu.memory_space<vmem>>, vector<16xi32>,
      tpu.vector_store %arg8[%swap3A], %bitcast3A {strides = array<i32>} : memref<20480xi32, #tpu.memory_space<vmem>>, vector<16xi32>,
      %scan3A_89 = arith.constant 1 : i32
      %scan3A_90 = arith.addi %scan3A_70, %scan3A_89 : i32
      %mul3A_91 = arith.constant 1 : i32
      %mul3A_92 = arith.muli %scan3A_90, %mul3A_91 : i32
      %add3A_93 = arith.constant 0 : i32
      %add3A_94 = arith.addi %add3A_93, %mul3A_92 : i32
      %mul3A_95 = arith.constant 16 : i32
      %mul3A_96 = arith.muli %add3A_94, %mul3A_95 : i32
      %get3A_97 = arith.index_cast %mul3A_96 : i32 to index
      %get3A_98 = tpu.vector_load %arg7[%get3A_97] {strides = array<i32>} : memref<20480xf32, #tpu.memory_space<vmem>>, vector<16xf32>,
      %mul3A_99 = arith.constant 16 : i32
      %mul3A_100 = arith.muli %add3A_94, %mul3A_99 : i32
      %add3A_101 = arith.constant 10240 : i32
      %add3A_102 = arith.addi %add3A_101, %mul3A_100 : i32
      %get3A_103 = arith.index_cast %add3A_102 : i32 to index
      %get3A_104 = tpu.vector_load %arg7[%get3A_103] {strides = array<i32>} : memref<20480xf32, #tpu.memory_space<vmem>>, vector<16xf32>,
      %pack3A_105 = tpu.pack_subelements %get3A_98, %get3A_104 {pack_format = #tpu.pack_format<interleaved>, positions = array<i32: 0, 1>} : vector<16xf32>, vector<16xf32> -> vector<32xbf16>
      %bitcast3A_106 = vector.bitcast %pack3A_105 : vector<32xbf16> to vector<16xi32>
      %mul3A_107 = arith.constant 16 : i32
      %mul3A_108 = arith.muli %add3A_94, %mul3A_107 : i32
      %add3A_109 = arith.constant 10240 : i32
      %add3A_110 = arith.addi %add3A_109, %mul3A_108 : i32
      %swap3A_111 = arith.index_cast %add3A_110 : i32 to index
      %swap3A_112 = tpu.vector_load %arg8[%swap3A_111] {strides = array<i32>} : memref<20480xi32, #tpu.memory_space<vmem>>, vector<16xi32>,
      tpu.vector_store %arg8[%swap3A_111], %bitcast3A_106 {strides = array<i32>} : memref<20480xi32, #tpu.memory_space<vmem>>, vector<16xi32>,
      %scan3A_113 = arith.constant 2 : i32
      %scan3A_114 = arith.addi %scan3A_70, %scan3A_113 : i32
      %mul3A_115 = arith.constant 1 : i32
      %mul3A_116 = arith.muli %scan3A_114, %mul3A_115 : i32
      %add3A_117 = arith.constant 0 : i32
      %add3A_118 = arith.addi %add3A_117, %mul3A_116 : i32
      %mul3A_119 = arith.constant 16 : i32
      %mul3A_120 = arith.muli %add3A_118, %mul3A_119 : i32
      %get3A_121 = arith.index_cast %mul3A_120 : i32 to index
      %get3A_122 = tpu.vector_load %arg7[%get3A_121] {strides = array<i32>} : memref<20480xf32, #tpu.memory_space<vmem>>, vector<16xf32>,
      %mul3A_123 = arith.constant 16 : i32
      %mul3A_124 = arith.muli %add3A_118, %mul3A_123 : i32
      %add3A_125 = arith.constant 10240 : i32
      %add3A_126 = arith.addi %add3A_125, %mul3A_124 : i32
      %get3A_127 = arith.index_cast %add3A_126 : i32 to index
      %get3A_128 = tpu.vector_load %arg7[%get3A_127] {strides = array<i32>} : memref<20480xf32, #tpu.memory_space<vmem>>, vector<16xf32>,
      %pack3A_129 = tpu.pack_subelements %get3A_122, %get3A_128 {pack_format = #tpu.pack_format<interleaved>, positions = array<i32: 0, 1>} : vector<16xf32>, vector<16xf32> -> vector<32xbf16>
      %bitcast3A_130 = vector.bitcast %pack3A_129 : vector<32xbf16> to vector<16xi32>
      %mul3A_131 = arith.constant 16 : i32
      %mul3A_132 = arith.muli %add3A_118, %mul3A_131 : i32
      %add3A_133 = arith.constant 10240 : i32
      %add3A_134 = arith.addi %add3A_133, %mul3A_132 : i32
      %swap3A_135 = arith.index_cast %add3A_134 : i32 to index
      %swap3A_136 = tpu.vector_load %arg8[%swap3A_135] {strides = array<i32>} : memref<20480xi32, #tpu.memory_space<vmem>>, vector<16xi32>,
      tpu.vector_store %arg8[%swap3A_135], %bitcast3A_130 {strides = array<i32>} : memref<20480xi32, #tpu.memory_space<vmem>>, vector<16xi32>,
      %scan3A_137 = arith.constant 3 : i32
      %scan3A_138 = arith.addi %scan3A_70, %scan3A_137 : i32
      %mul3A_139 = arith.constant 1 : i32
      %mul3A_140 = arith.muli %scan3A_138, %mul3A_139 : i32
      %add3A_141 = arith.constant 0 : i32
      %add3A_142 = arith.addi %add3A_141, %mul3A_140 : i32
      %mul3A_143 = arith.constant 16 : i32
      %mul3A_144 = arith.muli %add3A_142, %mul3A_143 : i32
      %get3A_145 = arith.index_cast %mul3A_144 : i32 to index
      %get3A_146 = tpu.vector_load %arg7[%get3A_145] {strides = array<i32>} : memref<20480xf32, #tpu.memory_space<vmem>>, vector<16xf32>,
      %mul3A_147 = arith.constant 16 : i32
      %mul3A_148 = arith.muli %add3A_142, %mul3A_147 : i32
      %add3A_149 = arith.constant 10240 : i32
      %add3A_150 = arith.addi %add3A_149, %mul3A_148 : i32
      %get3A_151 = arith.index_cast %add3A_150 : i32 to index
      %get3A_152 = tpu.vector_load %arg7[%get3A_151] {strides = array<i32>} : memref<20480xf32, #tpu.memory_space<vmem>>, vector<16xf32>,
      %pack3A_153 = tpu.pack_subelements %get3A_146, %get3A_152 {pack_format = #tpu.pack_format<interleaved>, positions = array<i32: 0, 1>} : vector<16xf32>, vector<16xf32> -> vector<32xbf16>
      %bitcast3A_154 = vector.bitcast %pack3A_153 : vector<32xbf16> to vector<16xi32>
      %mul3A_155 = arith.constant 16 : i32
      %mul3A_156 = arith.muli %add3A_142, %mul3A_155 : i32
      %add3A_157 = arith.constant 10240 : i32
      %add3A_158 = arith.addi %add3A_157, %mul3A_156 : i32
      %swap3A_159 = arith.index_cast %add3A_158 : i32 to index
      %swap3A_160 = tpu.vector_load %arg8[%swap3A_159] {strides = array<i32>} : memref<20480xi32, #tpu.memory_space<vmem>>, vector<16xi32>,
      tpu.vector_store %arg8[%swap3A_159], %bitcast3A_154 {strides = array<i32>} : memref<20480xi32, #tpu.memory_space<vmem>>, vector<16xi32>,
    }
    %scan3A_27 = arith.constant 640 : i32
    %broadcast_in_dim3A = arith.constant 0.000000e+00 : f32
    %broadcast_in_dim3A_28 = vector.broadcast %broadcast_in_dim3A : f32 to vector<16xf32>
    %scan3A_29 = arith.constant 0 : i32
    %scan3A_30 = arith.constant 2560 : i32
    %scan3A_31 = arith.addi %scan3A_29, %scan3A_30 : i32
    %scan3A_32 = arith.constant 4 : i32
    scf.for %scan3A_70 = %scan3A_29 to %scan3A_31 step %scan3A_32  : i32 {
      %mul3A_71 = arith.constant 1 : i32
      %mul3A_72 = arith.muli %scan3A_70, %mul3A_71 : i32
      %add3A_73 = arith.constant 0 : i32
      %add3A_74 = arith.addi %add3A_73, %mul3A_72 : i32
      %mul3A_75 = arith.constant 16 : i32
      %mul3A_76 = arith.muli %add3A_74, %mul3A_75 : i32
      %swap3A = arith.index_cast %mul3A_76 : i32 to index
      %swap3A_77 = tpu.vector_load %arg9[%swap3A] {strides = array<i32>} : memref<40960xf32, #tpu.memory_space<vmem>>, vector<16xf32>,
      tpu.vector_store %arg9[%swap3A], %broadcast_in_dim3A_28 {strides = array<i32>} : memref<40960xf32, #tpu.memory_space<vmem>>, vector<16xf32>,
      %scan3A_78 = arith.constant 1 : i32
      %scan3A_79 = arith.addi %scan3A_70, %scan3A_78 : i32
      %mul3A_80 = arith.constant 1 : i32
      %mul3A_81 = arith.muli %scan3A_79, %mul3A_80 : i32
      %add3A_82 = arith.constant 0 : i32
      %add3A_83 = arith.addi %add3A_82, %mul3A_81 : i32
      %mul3A_84 = arith.constant 16 : i32
      %mul3A_85 = arith.muli %add3A_83, %mul3A_84 : i32
      %swap3A_86 = arith.index_cast %mul3A_85 : i32 to index
      %swap3A_87 = tpu.vector_load %arg9[%swap3A_86] {strides = array<i32>} : memref<40960xf32, #tpu.memory_space<vmem>>, vector<16xf32>,
      tpu.vector_store %arg9[%swap3A_86], %broadcast_in_dim3A_28 {strides = array<i32>} : memref<40960xf32, #tpu.memory_space<vmem>>, vector<16xf32>,
      %scan3A_88 = arith.constant 2 : i32
      %scan3A_89 = arith.addi %scan3A_70, %scan3A_88 : i32
      %mul3A_90 = arith.constant 1 : i32
      %mul3A_91 = arith.muli %scan3A_89, %mul3A_90 : i32
      %add3A_92 = arith.constant 0 : i32
      %add3A_93 = arith.addi %add3A_92, %mul3A_91 : i32
      %mul3A_94 = arith.constant 16 : i32
      %mul3A_95 = arith.muli %add3A_93, %mul3A_94 : i32
      %swap3A_96 = arith.index_cast %mul3A_95 : i32 to index
      %swap3A_97 = tpu.vector_load %arg9[%swap3A_96] {strides = array<i32>} : memref<40960xf32, #tpu.memory_space<vmem>>, vector<16xf32>,
      tpu.vector_store %arg9[%swap3A_96], %broadcast_in_dim3A_28 {strides = array<i32>} : memref<40960xf32, #tpu.memory_space<vmem>>, vector<16xf32>,
      %scan3A_98 = arith.constant 3 : i32
      %scan3A_99 = arith.addi %scan3A_70, %scan3A_98 : i32
      %mul3A_100 = arith.constant 1 : i32
      %mul3A_101 = arith.muli %scan3A_99, %mul3A_100 : i32
      %add3A_102 = arith.constant 0 : i32
      %add3A_103 = arith.addi %add3A_102, %mul3A_101 : i32
      %mul3A_104 = arith.constant 16 : i32
      %mul3A_105 = arith.muli %add3A_103, %mul3A_104 : i32
      %swap3A_106 = arith.index_cast %mul3A_105 : i32 to index
      %swap3A_107 = tpu.vector_load %arg9[%swap3A_106] {strides = array<i32>} : memref<40960xf32, #tpu.memory_space<vmem>>, vector<16xf32>,
      tpu.vector_store %arg9[%swap3A_106], %broadcast_in_dim3A_28 {strides = array<i32>} : memref<40960xf32, #tpu.memory_space<vmem>>, vector<16xf32>,
    }
    %scan3A_33 = arith.constant 2560 : i32
    %dma_start3A = arith.constant 0 : i32
    %dma_start3A_34 = tpu.memref_slice %arg3[%dma_start3A] : memref<320000xi32, #tpu.memory_space<hbm>> -> memref<6400xi32, #tpu.memory_space<hbm>>
    %dma_start3A_35 = arith.constant 0 : i32
    %dma_start3A_36 = tpu.memref_slice %arg3[%dma_start3A_35] : memref<320000xi32, #tpu.memory_space<hbm>> -> memref<6400xi32, #tpu.memory_space<hbm>>
    tpu.enqueue_dma source(%dma_start3A_36 : memref<6400xi32, #tpu.memory_space<hbm>>) target(%arg10 : memref<6400xi32, #tpu.memory_space<vmem>>) target_semaphore(%arg16 : memref<!tpu.dma_semaphore, #tpu.memory_space<semaphore_mem>>)
    %dma_start3A_37 = arith.constant 0 : i32
    %dma_start3A_38 = tpu.memref_slice %arg4[%dma_start3A_37] : memref<320000xi32, #tpu.memory_space<hbm>> -> memref<6400xi32, #tpu.memory_space<hbm>>
    %dma_start3A_39 = arith.constant 0 : i32
    %dma_start3A_40 = tpu.memref_slice %arg4[%dma_start3A_39] : memref<320000xi32, #tpu.memory_space<hbm>> -> memref<6400xi32, #tpu.memory_space<hbm>>
    tpu.enqueue_dma source(%dma_start3A_40 : memref<6400xi32, #tpu.memory_space<hbm>>) target(%arg11 : memref<6400xi32, #tpu.memory_space<vmem>>) target_semaphore(%arg16 : memref<!tpu.dma_semaphore, #tpu.memory_space<semaphore_mem>>)
    %dma_start3A_41 = arith.constant 0 : i32
    %dma_start3A_42 = tpu.memref_slice %arg5[%dma_start3A_41] : memref<320000xf32, #tpu.memory_space<hbm>> -> memref<6400xf32, #tpu.memory_space<hbm>>
    %dma_start3A_43 = arith.constant 0 : i32
    %dma_start3A_44 = tpu.memref_slice %arg5[%dma_start3A_43] : memref<320000xf32, #tpu.memory_space<hbm>> -> memref<6400xf32, #tpu.memory_space<hbm>>
    tpu.enqueue_dma source(%dma_start3A_44 : memref<6400xf32, #tpu.memory_space<hbm>>) target(%arg12 : memref<6400xf32, #tpu.memory_space<vmem>>) target_semaphore(%arg16 : memref<!tpu.dma_semaphore, #tpu.memory_space<semaphore_mem>>)
    %dma_start3A_45 = arith.constant 6400 : i32
    %dma_start3A_46 = tpu.memref_slice %arg3[%dma_start3A_45] : memref<320000xi32, #tpu.memory_space<hbm>> -> memref<6400xi32, #tpu.memory_space<hbm>>
    %dma_start3A_47 = arith.constant 6400 : i32
    %dma_start3A_48 = tpu.memref_slice %arg3[%dma_start3A_47] : memref<320000xi32, #tpu.memory_space<hbm>> -> memref<6400xi32, #tpu.memory_space<hbm>>
    tpu.enqueue_dma source(%dma_start3A_48 : memref<6400xi32, #tpu.memory_space<hbm>>) target(%arg13 : memref<6400xi32, #tpu.memory_space<vmem>>) target_semaphore(%arg17 : memref<!tpu.dma_semaphore, #tpu.memory_space<semaphore_mem>>)
    %dma_start3A_49 = arith.constant 6400 : i32
    %dma_start3A_50 = tpu.memref_slice %arg4[%dma_start3A_49] : memref<320000xi32, #tpu.memory_space<hbm>> -> memref<6400xi32, #tpu.memory_space<hbm>>
    %dma_start3A_51 = arith.constant 6400 : i32
    %dma_start3A_52 = tpu.memref_slice %arg4[%dma_start3A_51] : memref<320000xi32, #tpu.memory_space<hbm>> -> memref<6400xi32, #tpu.memory_space<hbm>>
    tpu.enqueue_dma source(%dma_start3A_52 : memref<6400xi32, #tpu.memory_space<hbm>>) target(%arg14 : memref<6400xi32, #tpu.memory_space<vmem>>) target_semaphore(%arg17 : memref<!tpu.dma_semaphore, #tpu.memory_space<semaphore_mem>>)
    %dma_start3A_53 = arith.constant 6400 : i32
    %dma_start3A_54 = tpu.memref_slice %arg5[%dma_start3A_53] : memref<320000xf32, #tpu.memory_space<hbm>> -> memref<6400xf32, #tpu.memory_space<hbm>>
    %dma_start3A_55 = arith.constant 6400 : i32
    %dma_start3A_56 = tpu.memref_slice %arg5[%dma_start3A_55] : memref<320000xf32, #tpu.memory_space<hbm>> -> memref<6400xf32, #tpu.memory_space<hbm>>
    tpu.enqueue_dma source(%dma_start3A_56 : memref<6400xf32, #tpu.memory_space<hbm>>) target(%arg15 : memref<6400xf32, #tpu.memory_space<vmem>>) target_semaphore(%arg17 : memref<!tpu.dma_semaphore, #tpu.memory_space<semaphore_mem>>)
    %scan3A_57 = arith.constant 0 : i32
    %scan3A_58 = arith.constant 25 : i32
    %scan3A_59 = arith.addi %scan3A_57, %scan3A_58 : i32
    %scan3A_60 = arith.constant 1 : i32
    scf.for %scan3A_70 = %scan3A_57 to %scan3A_59 step %scan3A_60  : i32 {
      %mul3A_71 = arith.constant 2 : i32
      %mul3A_72 = arith.muli %scan3A_70, %mul3A_71 : i32
      %add3A_73 = arith.constant 0 : i32
      %add3A_74 = arith.addi %add3A_73, %mul3A_72 : i32
      %add3A_75 = arith.constant 0 : i32
      %add3A_76 = arith.addi %add3A_74, %add3A_75 : i32
      %mul3A_77 = arith.constant 6400 : i32
      %mul3A_78 = arith.muli %add3A_76, %mul3A_77 : i32
      %dma_wait3A = tpu.memref_slice %arg3[%mul3A_78] : memref<320000xi32, #tpu.memory_space<hbm>> -> memref<6400xi32, #tpu.memory_space<hbm>>
      %dma_wait3A_79 = tpu.memref_slice %arg3[%mul3A_78] : memref<320000xi32, #tpu.memory_space<hbm>> -> memref<6400xi32, #tpu.memory_space<hbm>>
      tpu.wait_dma2 semaphore(%arg16 : memref<!tpu.dma_semaphore, #tpu.memory_space<semaphore_mem>>) src(%dma_wait3A_79 : memref<6400xi32, #tpu.memory_space<hbm>>) dst(%arg10 : memref<6400xi32, #tpu.memory_space<vmem>>)
      %mul3A_80 = arith.constant 6400 : i32
      %mul3A_81 = arith.muli %add3A_76, %mul3A_80 : i32
      %dma_wait3A_82 = tpu.memref_slice %arg4[%mul3A_81] : memref<320000xi32, #tpu.memory_space<hbm>> -> memref<6400xi32, #tpu.memory_space<hbm>>
      %dma_wait3A_83 = tpu.memref_slice %arg4[%mul3A_81] : memref<320000xi32, #tpu.memory_space<hbm>> -> memref<6400xi32, #tpu.memory_space<hbm>>
      tpu.wait_dma2 semaphore(%arg16 : memref<!tpu.dma_semaphore, #tpu.memory_space<semaphore_mem>>) src(%dma_wait3A_83 : memref<6400xi32, #tpu.memory_space<hbm>>) dst(%arg11 : memref<6400xi32, #tpu.memory_space<vmem>>)
      %mul3A_84 = arith.constant 6400 : i32
      %mul3A_85 = arith.muli %add3A_76, %mul3A_84 : i32
      %dma_wait3A_86 = tpu.memref_slice %arg5[%mul3A_85] : memref<320000xf32, #tpu.memory_space<hbm>> -> memref<6400xf32, #tpu.memory_space<hbm>>
      %dma_wait3A_87 = tpu.memref_slice %arg5[%mul3A_85] : memref<320000xf32, #tpu.memory_space<hbm>> -> memref<6400xf32, #tpu.memory_space<hbm>>
      tpu.wait_dma2 semaphore(%arg16 : memref<!tpu.dma_semaphore, #tpu.memory_space<semaphore_mem>>) src(%dma_wait3A_87 : memref<6400xf32, #tpu.memory_space<hbm>>) dst(%arg12 : memref<6400xf32, #tpu.memory_space<vmem>>)
      %parallel_loop3A = arith.constant 0 : i32
      %parallel_loop3A_88 = arith.constant 400 : i32
      %parallel_loop3A_89 = arith.constant 1 : i32
      scf.for %parallel_loop3A_118 = %parallel_loop3A to %parallel_loop3A_88 step %parallel_loop3A_89  : i32 {
        %parallel_loop3A_119 = arith.constant 16 : i32
        %parallel_loop3A_120 = arith.muli %parallel_loop3A_118, %parallel_loop3A_119 : i32
        %parallel_loop3A_121 = arith.index_cast %parallel_loop3A_120 : i32 to index
        %parallel_loop3A_122 = tpu.vector_load %arg10[%parallel_loop3A_121] {strides = array<i32>} : memref<6400xi32, #tpu.memory_space<vmem>>, vector<16xi32>,
        %parallel_loop3A_123 = arith.index_cast %parallel_loop3A_120 : i32 to index
        %parallel_loop3A_124 = tpu.vector_load %arg11[%parallel_loop3A_123] {strides = array<i32>} : memref<6400xi32, #tpu.memory_space<vmem>>, vector<16xi32>,
        %parallel_loop3A_125 = arith.index_cast %parallel_loop3A_120 : i32 to index
        %parallel_loop3A_126 = tpu.vector_load %arg12[%parallel_loop3A_125] {strides = array<i32>} : memref<6400xf32, #tpu.memory_space<vmem>>, vector<16xf32>,
        %parallel_loop3A_127 = arith.constant 0 : i32
        %parallel_loop3A_128 = tpu.memref_slice %arg8[%parallel_loop3A_127] : memref<20480xi32, #tpu.memory_space<vmem>> -> memref<10240xi32, #tpu.memory_space<vmem>>
        %parallel_loop3A_129 = tpu.vector_load_idx %parallel_loop3A_128[%parallel_loop3A_122] : memref<10240xi32, #tpu.memory_space<vmem>>[vector<16xi32>], vector<16xi32>,
        %parallel_loop3A_130 = vector.bitcast %parallel_loop3A_129 : vector<16xi32> to vector<32xbf16>
        %parallel_loop3A_131 = tpu.unpack_subelements %parallel_loop3A_130, 0 {pack_format = #tpu.pack_format<interleaved>} : vector<32xbf16> -> vector<16xf32>
        %parallel_loop3A_132 = tpu.unpack_subelements %parallel_loop3A_130, 1 {pack_format = #tpu.pack_format<interleaved>} : vector<32xbf16> -> vector<16xf32>
        %parallel_loop3A_133 = arith.mulf %parallel_loop3A_131, %parallel_loop3A_126 : vector<16xf32>
        %parallel_loop3A_134 = arith.constant 0 : i32
        %parallel_loop3A_135 = tpu.memref_slice %arg9[%parallel_loop3A_134] : memref<40960xf32, #tpu.memory_space<vmem>> -> memref<10240xf32, #tpu.memory_space<vmem>>
        tpu.vector_store_idx %parallel_loop3A_135[%parallel_loop3A_124], %parallel_loop3A_133 {add = true} : memref<10240xf32, #tpu.memory_space<vmem>>[vector<16xi32>], vector<16xf32>,
        %parallel_loop3A_136 = arith.mulf %parallel_loop3A_132, %parallel_loop3A_126 : vector<16xf32>
        %parallel_loop3A_137 = arith.constant 10240 : i32
        %parallel_loop3A_138 = tpu.memref_slice %arg9[%parallel_loop3A_137] : memref<40960xf32, #tpu.memory_space<vmem>> -> memref<10240xf32, #tpu.memory_space<vmem>>
        tpu.vector_store_idx %parallel_loop3A_138[%parallel_loop3A_124], %parallel_loop3A_136 {add = true} : memref<10240xf32, #tpu.memory_space<vmem>>[vector<16xi32>], vector<16xf32>,
        %parallel_loop3A_139 = arith.constant 10240 : i32
        %parallel_loop3A_140 = tpu.memref_slice %arg8[%parallel_loop3A_139] : memref<20480xi32, #tpu.memory_space<vmem>> -> memref<10240xi32, #tpu.memory_space<vmem>>
        %parallel_loop3A_141 = tpu.vector_load_idx %parallel_loop3A_140[%parallel_loop3A_122] : memref<10240xi32, #tpu.memory_space<vmem>>[vector<16xi32>], vector<16xi32>,
        %parallel_loop3A_142 = vector.bitcast %parallel_loop3A_141 : vector<16xi32> to vector<32xbf16>
        %parallel_loop3A_143 = tpu.unpack_subelements %parallel_loop3A_142, 0 {pack_format = #tpu.pack_format<interleaved>} : vector<32xbf16> -> vector<16xf32>
        %parallel_loop3A_144 = tpu.unpack_subelements %parallel_loop3A_142, 1 {pack_format = #tpu.pack_format<interleaved>} : vector<32xbf16> -> vector<16xf32>
        %parallel_loop3A_145 = arith.mulf %parallel_loop3A_143, %parallel_loop3A_126 : vector<16xf32>
        %parallel_loop3A_146 = arith.constant 20480 : i32
        %parallel_loop3A_147 = tpu.memref_slice %arg9[%parallel_loop3A_146] : memref<40960xf32, #tpu.memory_space<vmem>> -> memref<10240xf32, #tpu.memory_space<vmem>>
        tpu.vector_store_idx %parallel_loop3A_147[%parallel_loop3A_124], %parallel_loop3A_145 {add = true} : memref<10240xf32, #tpu.memory_space<vmem>>[vector<16xi32>], vector<16xf32>,
        %parallel_loop3A_148 = arith.mulf %parallel_loop3A_144, %parallel_loop3A_126 : vector<16xf32>
        %parallel_loop3A_149 = arith.constant 30720 : i32
        %parallel_loop3A_150 = tpu.memref_slice %arg9[%parallel_loop3A_149] : memref<40960xf32, #tpu.memory_space<vmem>> -> memref<10240xf32, #tpu.memory_space<vmem>>
        tpu.vector_store_idx %parallel_loop3A_150[%parallel_loop3A_124], %parallel_loop3A_148 {add = true} : memref<10240xf32, #tpu.memory_space<vmem>>[vector<16xi32>], vector<16xf32>,
      } {sc.loop_unroll_factor = 8 : i64, sc.parallel_access}
      %add3A_90 = arith.constant 2 : i32
      %add3A_91 = arith.addi %add3A_76, %add3A_90 : i32
      %lt3A = arith.constant 50 : i32
      %lt3A_92 = arith.cmpi slt, %add3A_91, %lt3A : i32
      %convert_element_type3A = arith.extui %lt3A_92 : i1 to i32
      %cond3A = arith.constant 0 : i32
      %cond3A_93 = arith.cmpi ne, %convert_element_type3A, %cond3A : i32
      scf.if %cond3A_93 {
        %add3A_118 = arith.constant 2 : i32
        %add3A_119 = arith.addi %add3A_76, %add3A_118 : i32
        %mul3A_120 = arith.constant 6400 : i32
        %mul3A_121 = arith.muli %add3A_119, %mul3A_120 : i32
        %dma_start3A_122 = tpu.memref_slice %arg3[%mul3A_121] : memref<320000xi32, #tpu.memory_space<hbm>> -> memref<6400xi32, #tpu.memory_space<hbm>>
        %dma_start3A_123 = tpu.memref_slice %arg3[%mul3A_121] : memref<320000xi32, #tpu.memory_space<hbm>> -> memref<6400xi32, #tpu.memory_space<hbm>>
        tpu.enqueue_dma source(%dma_start3A_123 : memref<6400xi32, #tpu.memory_space<hbm>>) target(%arg10 : memref<6400xi32, #tpu.memory_space<vmem>>) target_semaphore(%arg16 : memref<!tpu.dma_semaphore, #tpu.memory_space<semaphore_mem>>)
        %mul3A_124 = arith.constant 6400 : i32
        %mul3A_125 = arith.muli %add3A_119, %mul3A_124 : i32
        %dma_start3A_126 = tpu.memref_slice %arg4[%mul3A_125] : memref<320000xi32, #tpu.memory_space<hbm>> -> memref<6400xi32, #tpu.memory_space<hbm>>
        %dma_start3A_127 = tpu.memref_slice %arg4[%mul3A_125] : memref<320000xi32, #tpu.memory_space<hbm>> -> memref<6400xi32, #tpu.memory_space<hbm>>
        tpu.enqueue_dma source(%dma_start3A_127 : memref<6400xi32, #tpu.memory_space<hbm>>) target(%arg11 : memref<6400xi32, #tpu.memory_space<vmem>>) target_semaphore(%arg16 : memref<!tpu.dma_semaphore, #tpu.memory_space<semaphore_mem>>)
        %mul3A_128 = arith.constant 6400 : i32
        %mul3A_129 = arith.muli %add3A_119, %mul3A_128 : i32
        %dma_start3A_130 = tpu.memref_slice %arg5[%mul3A_129] : memref<320000xf32, #tpu.memory_space<hbm>> -> memref<6400xf32, #tpu.memory_space<hbm>>
        %dma_start3A_131 = tpu.memref_slice %arg5[%mul3A_129] : memref<320000xf32, #tpu.memory_space<hbm>> -> memref<6400xf32, #tpu.memory_space<hbm>>
        tpu.enqueue_dma source(%dma_start3A_131 : memref<6400xf32, #tpu.memory_space<hbm>>) target(%arg12 : memref<6400xf32, #tpu.memory_space<vmem>>) target_semaphore(%arg16 : memref<!tpu.dma_semaphore, #tpu.memory_space<semaphore_mem>>)
      } else {
      }
      %add3A_94 = arith.constant 1 : i32
      %add3A_95 = arith.addi %add3A_74, %add3A_94 : i32
      %mul3A_96 = arith.constant 6400 : i32
      %mul3A_97 = arith.muli %add3A_95, %mul3A_96 : i32
      %dma_wait3A_98 = tpu.memref_slice %arg3[%mul3A_97] : memref<320000xi32, #tpu.memory_space<hbm>> -> memref<6400xi32, #tpu.memory_space<hbm>>
      %dma_wait3A_99 = tpu.memref_slice %arg3[%mul3A_97] : memref<320000xi32, #tpu.memory_space<hbm>> -> memref<6400xi32, #tpu.memory_space<hbm>>
      tpu.wait_dma2 semaphore(%arg17 : memref<!tpu.dma_semaphore, #tpu.memory_space<semaphore_mem>>) src(%dma_wait3A_99 : memref<6400xi32, #tpu.memory_space<hbm>>) dst(%arg13 : memref<6400xi32, #tpu.memory_space<vmem>>)
      %mul3A_100 = arith.constant 6400 : i32
      %mul3A_101 = arith.muli %add3A_95, %mul3A_100 : i32
      %dma_wait3A_102 = tpu.memref_slice %arg4[%mul3A_101] : memref<320000xi32, #tpu.memory_space<hbm>> -> memref<6400xi32, #tpu.memory_space<hbm>>
      %dma_wait3A_103 = tpu.memref_slice %arg4[%mul3A_101] : memref<320000xi32, #tpu.memory_space<hbm>> -> memref<6400xi32, #tpu.memory_space<hbm>>
      tpu.wait_dma2 semaphore(%arg17 : memref<!tpu.dma_semaphore, #tpu.memory_space<semaphore_mem>>) src(%dma_wait3A_103 : memref<6400xi32, #tpu.memory_space<hbm>>) dst(%arg14 : memref<6400xi32, #tpu.memory_space<vmem>>)
      %mul3A_104 = arith.constant 6400 : i32
      %mul3A_105 = arith.muli %add3A_95, %mul3A_104 : i32
      %dma_wait3A_106 = tpu.memref_slice %arg5[%mul3A_105] : memref<320000xf32, #tpu.memory_space<hbm>> -> memref<6400xf32, #tpu.memory_space<hbm>>
      %dma_wait3A_107 = tpu.memref_slice %arg5[%mul3A_105] : memref<320000xf32, #tpu.memory_space<hbm>> -> memref<6400xf32, #tpu.memory_space<hbm>>
      tpu.wait_dma2 semaphore(%arg17 : memref<!tpu.dma_semaphore, #tpu.memory_space<semaphore_mem>>) src(%dma_wait3A_107 : memref<6400xf32, #tpu.memory_space<hbm>>) dst(%arg15 : memref<6400xf32, #tpu.memory_space<vmem>>)
      %parallel_loop3A_108 = arith.constant 0 : i32
      %parallel_loop3A_109 = arith.constant 400 : i32
      %parallel_loop3A_110 = arith.constant 1 : i32
      scf.for %parallel_loop3A_118 = %parallel_loop3A_108 to %parallel_loop3A_109 step %parallel_loop3A_110  : i32 {
        %parallel_loop3A_119 = arith.constant 16 : i32
        %parallel_loop3A_120 = arith.muli %parallel_loop3A_118, %parallel_loop3A_119 : i32
        %parallel_loop3A_121 = arith.index_cast %parallel_loop3A_120 : i32 to index
        %parallel_loop3A_122 = tpu.vector_load %arg13[%parallel_loop3A_121] {strides = array<i32>} : memref<6400xi32, #tpu.memory_space<vmem>>, vector<16xi32>,
        %parallel_loop3A_123 = arith.index_cast %parallel_loop3A_120 : i32 to index
        %parallel_loop3A_124 = tpu.vector_load %arg14[%parallel_loop3A_123] {strides = array<i32>} : memref<6400xi32, #tpu.memory_space<vmem>>, vector<16xi32>,
        %parallel_loop3A_125 = arith.index_cast %parallel_loop3A_120 : i32 to index
        %parallel_loop3A_126 = tpu.vector_load %arg15[%parallel_loop3A_125] {strides = array<i32>} : memref<6400xf32, #tpu.memory_space<vmem>>, vector<16xf32>,
        %parallel_loop3A_127 = arith.constant 0 : i32
        %parallel_loop3A_128 = tpu.memref_slice %arg8[%parallel_loop3A_127] : memref<20480xi32, #tpu.memory_space<vmem>> -> memref<10240xi32, #tpu.memory_space<vmem>>
        %parallel_loop3A_129 = tpu.vector_load_idx %parallel_loop3A_128[%parallel_loop3A_122] : memref<10240xi32, #tpu.memory_space<vmem>>[vector<16xi32>], vector<16xi32>,
        %parallel_loop3A_130 = vector.bitcast %parallel_loop3A_129 : vector<16xi32> to vector<32xbf16>
        %parallel_loop3A_131 = tpu.unpack_subelements %parallel_loop3A_130, 0 {pack_format = #tpu.pack_format<interleaved>} : vector<32xbf16> -> vector<16xf32>
        %parallel_loop3A_132 = tpu.unpack_subelements %parallel_loop3A_130, 1 {pack_format = #tpu.pack_format<interleaved>} : vector<32xbf16> -> vector<16xf32>
        %parallel_loop3A_133 = arith.mulf %parallel_loop3A_131, %parallel_loop3A_126 : vector<16xf32>
        %parallel_loop3A_134 = arith.constant 0 : i32
        %parallel_loop3A_135 = tpu.memref_slice %arg9[%parallel_loop3A_134] : memref<40960xf32, #tpu.memory_space<vmem>> -> memref<10240xf32, #tpu.memory_space<vmem>>
        tpu.vector_store_idx %parallel_loop3A_135[%parallel_loop3A_124], %parallel_loop3A_133 {add = true} : memref<10240xf32, #tpu.memory_space<vmem>>[vector<16xi32>], vector<16xf32>,
        %parallel_loop3A_136 = arith.mulf %parallel_loop3A_132, %parallel_loop3A_126 : vector<16xf32>
        %parallel_loop3A_137 = arith.constant 10240 : i32
        %parallel_loop3A_138 = tpu.memref_slice %arg9[%parallel_loop3A_137] : memref<40960xf32, #tpu.memory_space<vmem>> -> memref<10240xf32, #tpu.memory_space<vmem>>
        tpu.vector_store_idx %parallel_loop3A_138[%parallel_loop3A_124], %parallel_loop3A_136 {add = true} : memref<10240xf32, #tpu.memory_space<vmem>>[vector<16xi32>], vector<16xf32>,
        %parallel_loop3A_139 = arith.constant 10240 : i32
        %parallel_loop3A_140 = tpu.memref_slice %arg8[%parallel_loop3A_139] : memref<20480xi32, #tpu.memory_space<vmem>> -> memref<10240xi32, #tpu.memory_space<vmem>>
        %parallel_loop3A_141 = tpu.vector_load_idx %parallel_loop3A_140[%parallel_loop3A_122] : memref<10240xi32, #tpu.memory_space<vmem>>[vector<16xi32>], vector<16xi32>,
        %parallel_loop3A_142 = vector.bitcast %parallel_loop3A_141 : vector<16xi32> to vector<32xbf16>
        %parallel_loop3A_143 = tpu.unpack_subelements %parallel_loop3A_142, 0 {pack_format = #tpu.pack_format<interleaved>} : vector<32xbf16> -> vector<16xf32>
        %parallel_loop3A_144 = tpu.unpack_subelements %parallel_loop3A_142, 1 {pack_format = #tpu.pack_format<interleaved>} : vector<32xbf16> -> vector<16xf32>
        %parallel_loop3A_145 = arith.mulf %parallel_loop3A_143, %parallel_loop3A_126 : vector<16xf32>
        %parallel_loop3A_146 = arith.constant 20480 : i32
        %parallel_loop3A_147 = tpu.memref_slice %arg9[%parallel_loop3A_146] : memref<40960xf32, #tpu.memory_space<vmem>> -> memref<10240xf32, #tpu.memory_space<vmem>>
        tpu.vector_store_idx %parallel_loop3A_147[%parallel_loop3A_124], %parallel_loop3A_145 {add = true} : memref<10240xf32, #tpu.memory_space<vmem>>[vector<16xi32>], vector<16xf32>,
        %parallel_loop3A_148 = arith.mulf %parallel_loop3A_144, %parallel_loop3A_126 : vector<16xf32>
        %parallel_loop3A_149 = arith.constant 30720 : i32
        %parallel_loop3A_150 = tpu.memref_slice %arg9[%parallel_loop3A_149] : memref<40960xf32, #tpu.memory_space<vmem>> -> memref<10240xf32, #tpu.memory_space<vmem>>
        tpu.vector_store_idx %parallel_loop3A_150[%parallel_loop3A_124], %parallel_loop3A_148 {add = true} : memref<10240xf32, #tpu.memory_space<vmem>>[vector<16xi32>], vector<16xf32>,
      } {sc.loop_unroll_factor = 8 : i64, sc.parallel_access}
      %add3A_111 = arith.constant 2 : i32
      %add3A_112 = arith.addi %add3A_95, %add3A_111 : i32
      %lt3A_113 = arith.constant 50 : i32
      %lt3A_114 = arith.cmpi slt, %add3A_112, %lt3A_113 : i32
      %convert_element_type3A_115 = arith.extui %lt3A_114 : i1 to i32
      %cond3A_116 = arith.constant 0 : i32
      %cond3A_117 = arith.cmpi ne, %convert_element_type3A_115, %cond3A_116 : i32
      scf.if %cond3A_117 {
        %add3A_118 = arith.constant 2 : i32
        %add3A_119 = arith.addi %add3A_95, %add3A_118 : i32
        %mul3A_120 = arith.constant 6400 : i32
        %mul3A_121 = arith.muli %add3A_119, %mul3A_120 : i32
        %dma_start3A_122 = tpu.memref_slice %arg3[%mul3A_121] : memref<320000xi32, #tpu.memory_space<hbm>> -> memref<6400xi32, #tpu.memory_space<hbm>>
        %dma_start3A_123 = tpu.memref_slice %arg3[%mul3A_121] : memref<320000xi32, #tpu.memory_space<hbm>> -> memref<6400xi32, #tpu.memory_space<hbm>>
        tpu.enqueue_dma source(%dma_start3A_123 : memref<6400xi32, #tpu.memory_space<hbm>>) target(%arg13 : memref<6400xi32, #tpu.memory_space<vmem>>) target_semaphore(%arg17 : memref<!tpu.dma_semaphore, #tpu.memory_space<semaphore_mem>>)
        %mul3A_124 = arith.constant 6400 : i32
        %mul3A_125 = arith.muli %add3A_119, %mul3A_124 : i32
        %dma_start3A_126 = tpu.memref_slice %arg4[%mul3A_125] : memref<320000xi32, #tpu.memory_space<hbm>> -> memref<6400xi32, #tpu.memory_space<hbm>>
        %dma_start3A_127 = tpu.memref_slice %arg4[%mul3A_125] : memref<320000xi32, #tpu.memory_space<hbm>> -> memref<6400xi32, #tpu.memory_space<hbm>>
        tpu.enqueue_dma source(%dma_start3A_127 : memref<6400xi32, #tpu.memory_space<hbm>>) target(%arg14 : memref<6400xi32, #tpu.memory_space<vmem>>) target_semaphore(%arg17 : memref<!tpu.dma_semaphore, #tpu.memory_space<semaphore_mem>>)
        %mul3A_128 = arith.constant 6400 : i32
        %mul3A_129 = arith.muli %add3A_119, %mul3A_128 : i32
        %dma_start3A_130 = tpu.memref_slice %arg5[%mul3A_129] : memref<320000xf32, #tpu.memory_space<hbm>> -> memref<6400xf32, #tpu.memory_space<hbm>>
        %dma_start3A_131 = tpu.memref_slice %arg5[%mul3A_129] : memref<320000xf32, #tpu.memory_space<hbm>> -> memref<6400xf32, #tpu.memory_space<hbm>>
        tpu.enqueue_dma source(%dma_start3A_131 : memref<6400xf32, #tpu.memory_space<hbm>>) target(%arg15 : memref<6400xf32, #tpu.memory_space<vmem>>) target_semaphore(%arg17 : memref<!tpu.dma_semaphore, #tpu.memory_space<semaphore_mem>>)
      } else {
      }
    }
    %scan3A_61 = arith.constant 25 : i32
    %add3A_62 = arith.constant 0 : i32
    %add3A_63 = arith.addi %mul3A_2, %add3A_62 : i32
    "tpu.region"() ({
      %run_scoped3A = tpu.sem_alloc : memref<!tpu.dma_semaphore, #tpu.memory_space<semaphore_mem>>
      %dma_start3A_70 = arith.constant 0 : i32
      %dma_start3A_71 = tpu.memref_slice %arg9[%dma_start3A_70] : memref<40960xf32, #tpu.memory_space<vmem>> -> memref<10240xf32, #tpu.memory_space<vmem>>
      %dma_start3A_72 = arith.constant 0 : i32
      %dma_start3A_73 = tpu.memref_slice %arg6[%add3A_63, %dma_start3A_72] : memref<128x10240xf32, #tpu.memory_space<hbm>> -> memref<1x10240xf32, #tpu.memory_space<hbm>>
      %dma_start3A_74 = tpu.memref_squeeze %dma_start3A_73 : memref<1x10240xf32, #tpu.memory_space<hbm>> -> memref<10240xf32, #tpu.memory_space<hbm>>
      %dma_start3A_75 = arith.constant 0 : i32
      %dma_start3A_76 = tpu.memref_slice %arg6[%add3A_63, %dma_start3A_75] : memref<128x10240xf32, #tpu.memory_space<hbm>> -> memref<1x10240xf32, #tpu.memory_space<hbm>>
      %dma_start3A_77 = tpu.memref_squeeze %dma_start3A_76 : memref<1x10240xf32, #tpu.memory_space<hbm>> -> memref<10240xf32, #tpu.memory_space<hbm>>
      %dma_start3A_78 = arith.constant 0 : i32
      %dma_start3A_79 = tpu.memref_slice %arg9[%dma_start3A_78] : memref<40960xf32, #tpu.memory_space<vmem>> -> memref<10240xf32, #tpu.memory_space<vmem>>
      tpu.enqueue_dma source(%dma_start3A_79 : memref<10240xf32, #tpu.memory_space<vmem>>) target(%dma_start3A_77 : memref<10240xf32, #tpu.memory_space<hbm>>) target_semaphore(%run_scoped3A : memref<!tpu.dma_semaphore, #tpu.memory_space<semaphore_mem>>)
      %dma_wait3A = arith.constant 0 : i32
      %dma_wait3A_80 = tpu.memref_slice %arg9[%dma_wait3A] : memref<40960xf32, #tpu.memory_space<vmem>> -> memref<10240xf32, #tpu.memory_space<vmem>>
      %dma_wait3A_81 = arith.constant 0 : i32
      %dma_wait3A_82 = tpu.memref_slice %arg6[%add3A_63, %dma_wait3A_81] : memref<128x10240xf32, #tpu.memory_space<hbm>> -> memref<1x10240xf32, #tpu.memory_space<hbm>>
      %dma_wait3A_83 = tpu.memref_squeeze %dma_wait3A_82 : memref<1x10240xf32, #tpu.memory_space<hbm>> -> memref<10240xf32, #tpu.memory_space<hbm>>
      %dma_wait3A_84 = arith.constant 0 : i32
      %dma_wait3A_85 = tpu.memref_slice %arg6[%add3A_63, %dma_wait3A_84] : memref<128x10240xf32, #tpu.memory_space<hbm>> -> memref<1x10240xf32, #tpu.memory_space<hbm>>
      %dma_wait3A_86 = tpu.memref_squeeze %dma_wait3A_85 : memref<1x10240xf32, #tpu.memory_space<hbm>> -> memref<10240xf32, #tpu.memory_space<hbm>>
      %dma_wait3A_87 = arith.constant 0 : i32
      %dma_wait3A_88 = tpu.memref_slice %arg9[%dma_wait3A_87] : memref<40960xf32, #tpu.memory_space<vmem>> -> memref<10240xf32, #tpu.memory_space<vmem>>
      tpu.wait_dma2 semaphore(%run_scoped3A : memref<!tpu.dma_semaphore, #tpu.memory_space<semaphore_mem>>) src(%dma_wait3A_88 : memref<10240xf32, #tpu.memory_space<vmem>>) dst(%dma_wait3A_86 : memref<10240xf32, #tpu.memory_space<hbm>>)
      tpu.yield
    }) : () -> ()
    %add3A_64 = arith.constant 1 : i32
    %add3A_65 = arith.addi %mul3A_2, %add3A_64 : i32
    "tpu.region"() ({
      %run_scoped3A = tpu.sem_alloc : memref<!tpu.dma_semaphore, #tpu.memory_space<semaphore_mem>>
      %dma_start3A_70 = arith.constant 10240 : i32
      %dma_start3A_71 = tpu.memref_slice %arg9[%dma_start3A_70] : memref<40960xf32, #tpu.memory_space<vmem>> -> memref<10240xf32, #tpu.memory_space<vmem>>
      %dma_start3A_72 = arith.constant 0 : i32
      %dma_start3A_73 = tpu.memref_slice %arg6[%add3A_65, %dma_start3A_72] : memref<128x10240xf32, #tpu.memory_space<hbm>> -> memref<1x10240xf32, #tpu.memory_space<hbm>>
      %dma_start3A_74 = tpu.memref_squeeze %dma_start3A_73 : memref<1x10240xf32, #tpu.memory_space<hbm>> -> memref<10240xf32, #tpu.memory_space<hbm>>
      %dma_start3A_75 = arith.constant 0 : i32
      %dma_start3A_76 = tpu.memref_slice %arg6[%add3A_65, %dma_start3A_75] : memref<128x10240xf32, #tpu.memory_space<hbm>> -> memref<1x10240xf32, #tpu.memory_space<hbm>>
      %dma_start3A_77 = tpu.memref_squeeze %dma_start3A_76 : memref<1x10240xf32, #tpu.memory_space<hbm>> -> memref<10240xf32, #tpu.memory_space<hbm>>
      %dma_start3A_78 = arith.constant 10240 : i32
      %dma_start3A_79 = tpu.memref_slice %arg9[%dma_start3A_78] : memref<40960xf32, #tpu.memory_space<vmem>> -> memref<10240xf32, #tpu.memory_space<vmem>>
      tpu.enqueue_dma source(%dma_start3A_79 : memref<10240xf32, #tpu.memory_space<vmem>>) target(%dma_start3A_77 : memref<10240xf32, #tpu.memory_space<hbm>>) target_semaphore(%run_scoped3A : memref<!tpu.dma_semaphore, #tpu.memory_space<semaphore_mem>>)
      %dma_wait3A = arith.constant 10240 : i32
      %dma_wait3A_80 = tpu.memref_slice %arg9[%dma_wait3A] : memref<40960xf32, #tpu.memory_space<vmem>> -> memref<10240xf32, #tpu.memory_space<vmem>>
      %dma_wait3A_81 = arith.constant 0 : i32
      %dma_wait3A_82 = tpu.memref_slice %arg6[%add3A_65, %dma_wait3A_81] : memref<128x10240xf32, #tpu.memory_space<hbm>> -> memref<1x10240xf32, #tpu.memory_space<hbm>>
      %dma_wait3A_83 = tpu.memref_squeeze %dma_wait3A_82 : memref<1x10240xf32, #tpu.memory_space<hbm>> -> memref<10240xf32, #tpu.memory_space<hbm>>
      %dma_wait3A_84 = arith.constant 0 : i32
      %dma_wait3A_85 = tpu.memref_slice %arg6[%add3A_65, %dma_wait3A_84] : memref<128x10240xf32, #tpu.memory_space<hbm>> -> memref<1x10240xf32, #tpu.memory_space<hbm>>
      %dma_wait3A_86 = tpu.memref_squeeze %dma_wait3A_85 : memref<1x10240xf32, #tpu.memory_space<hbm>> -> memref<10240xf32, #tpu.memory_space<hbm>>
      %dma_wait3A_87 = arith.constant 10240 : i32
      %dma_wait3A_88 = tpu.memref_slice %arg9[%dma_wait3A_87] : memref<40960xf32, #tpu.memory_space<vmem>> -> memref<10240xf32, #tpu.memory_space<vmem>>
      tpu.wait_dma2 semaphore(%run_scoped3A : memref<!tpu.dma_semaphore, #tpu.memory_space<semaphore_mem>>) src(%dma_wait3A_88 : memref<10240xf32, #tpu.memory_space<vmem>>) dst(%dma_wait3A_86 : memref<10240xf32, #tpu.memory_space<hbm>>)
      tpu.yield
    }) : () -> ()
    %add3A_66 = arith.constant 2 : i32
    %add3A_67 = arith.addi %mul3A_2, %add3A_66 : i32
    "tpu.region"() ({
      %run_scoped3A = tpu.sem_alloc : memref<!tpu.dma_semaphore, #tpu.memory_space<semaphore_mem>>
      %dma_start3A_70 = arith.constant 20480 : i32
      %dma_start3A_71 = tpu.memref_slice %arg9[%dma_start3A_70] : memref<40960xf32, #tpu.memory_space<vmem>> -> memref<10240xf32, #tpu.memory_space<vmem>>
      %dma_start3A_72 = arith.constant 0 : i32
      %dma_start3A_73 = tpu.memref_slice %arg6[%add3A_67, %dma_start3A_72] : memref<128x10240xf32, #tpu.memory_space<hbm>> -> memref<1x10240xf32, #tpu.memory_space<hbm>>
      %dma_start3A_74 = tpu.memref_squeeze %dma_start3A_73 : memref<1x10240xf32, #tpu.memory_space<hbm>> -> memref<10240xf32, #tpu.memory_space<hbm>>
      %dma_start3A_75 = arith.constant 0 : i32
      %dma_start3A_76 = tpu.memref_slice %arg6[%add3A_67, %dma_start3A_75] : memref<128x10240xf32, #tpu.memory_space<hbm>> -> memref<1x10240xf32, #tpu.memory_space<hbm>>
      %dma_start3A_77 = tpu.memref_squeeze %dma_start3A_76 : memref<1x10240xf32, #tpu.memory_space<hbm>> -> memref<10240xf32, #tpu.memory_space<hbm>>
      %dma_start3A_78 = arith.constant 20480 : i32
      %dma_start3A_79 = tpu.memref_slice %arg9[%dma_start3A_78] : memref<40960xf32, #tpu.memory_space<vmem>> -> memref<10240xf32, #tpu.memory_space<vmem>>
      tpu.enqueue_dma source(%dma_start3A_79 : memref<10240xf32, #tpu.memory_space<vmem>>) target(%dma_start3A_77 : memref<10240xf32, #tpu.memory_space<hbm>>) target_semaphore(%run_scoped3A : memref<!tpu.dma_semaphore, #tpu.memory_space<semaphore_mem>>)
      %dma_wait3A = arith.constant 20480 : i32
      %dma_wait3A_80 = tpu.memref_slice %arg9[%dma_wait3A] : memref<40960xf32, #tpu.memory_space<vmem>> -> memref<10240xf32, #tpu.memory_space<vmem>>
      %dma_wait3A_81 = arith.constant 0 : i32
      %dma_wait3A_82 = tpu.memref_slice %arg6[%add3A_67, %dma_wait3A_81] : memref<128x10240xf32, #tpu.memory_space<hbm>> -> memref<1x10240xf32, #tpu.memory_space<hbm>>
      %dma_wait3A_83 = tpu.memref_squeeze %dma_wait3A_82 : memref<1x10240xf32, #tpu.memory_space<hbm>> -> memref<10240xf32, #tpu.memory_space<hbm>>
      %dma_wait3A_84 = arith.constant 0 : i32
      %dma_wait3A_85 = tpu.memref_slice %arg6[%add3A_67, %dma_wait3A_84] : memref<128x10240xf32, #tpu.memory_space<hbm>> -> memref<1x10240xf32, #tpu.memory_space<hbm>>
      %dma_wait3A_86 = tpu.memref_squeeze %dma_wait3A_85 : memref<1x10240xf32, #tpu.memory_space<hbm>> -> memref<10240xf32, #tpu.memory_space<hbm>>
      %dma_wait3A_87 = arith.constant 20480 : i32
      %dma_wait3A_88 = tpu.memref_slice %arg9[%dma_wait3A_87] : memref<40960xf32, #tpu.memory_space<vmem>> -> memref<10240xf32, #tpu.memory_space<vmem>>
      tpu.wait_dma2 semaphore(%run_scoped3A : memref<!tpu.dma_semaphore, #tpu.memory_space<semaphore_mem>>) src(%dma_wait3A_88 : memref<10240xf32, #tpu.memory_space<vmem>>) dst(%dma_wait3A_86 : memref<10240xf32, #tpu.memory_space<hbm>>)
      tpu.yield
    }) : () -> ()
    %add3A_68 = arith.constant 3 : i32
    %add3A_69 = arith.addi %mul3A_2, %add3A_68 : i32
    "tpu.region"() ({
      %run_scoped3A = tpu.sem_alloc : memref<!tpu.dma_semaphore, #tpu.memory_space<semaphore_mem>>
      %dma_start3A_70 = arith.constant 30720 : i32
      %dma_start3A_71 = tpu.memref_slice %arg9[%dma_start3A_70] : memref<40960xf32, #tpu.memory_space<vmem>> -> memref<10240xf32, #tpu.memory_space<vmem>>
      %dma_start3A_72 = arith.constant 0 : i32
      %dma_start3A_73 = tpu.memref_slice %arg6[%add3A_69, %dma_start3A_72] : memref<128x10240xf32, #tpu.memory_space<hbm>> -> memref<1x10240xf32, #tpu.memory_space<hbm>>
      %dma_start3A_74 = tpu.memref_squeeze %dma_start3A_73 : memref<1x10240xf32, #tpu.memory_space<hbm>> -> memref<10240xf32, #tpu.memory_space<hbm>>
      %dma_start3A_75 = arith.constant 0 : i32
      %dma_start3A_76 = tpu.memref_slice %arg6[%add3A_69, %dma_start3A_75] : memref<128x10240xf32, #tpu.memory_space<hbm>> -> memref<1x10240xf32, #tpu.memory_space<hbm>>
      %dma_start3A_77 = tpu.memref_squeeze %dma_start3A_76 : memref<1x10240xf32, #tpu.memory_space<hbm>> -> memref<10240xf32, #tpu.memory_space<hbm>>
      %dma_start3A_78 = arith.constant 30720 : i32
      %dma_start3A_79 = tpu.memref_slice %arg9[%dma_start3A_78] : memref<40960xf32, #tpu.memory_space<vmem>> -> memref<10240xf32, #tpu.memory_space<vmem>>
      tpu.enqueue_dma source(%dma_start3A_79 : memref<10240xf32, #tpu.memory_space<vmem>>) target(%dma_start3A_77 : memref<10240xf32, #tpu.memory_space<hbm>>) target_semaphore(%run_scoped3A : memref<!tpu.dma_semaphore, #tpu.memory_space<semaphore_mem>>)
      %dma_wait3A = arith.constant 30720 : i32
      %dma_wait3A_80 = tpu.memref_slice %arg9[%dma_wait3A] : memref<40960xf32, #tpu.memory_space<vmem>> -> memref<10240xf32, #tpu.memory_space<vmem>>
      %dma_wait3A_81 = arith.constant 0 : i32
      %dma_wait3A_82 = tpu.memref_slice %arg6[%add3A_69, %dma_wait3A_81] : memref<128x10240xf32, #tpu.memory_space<hbm>> -> memref<1x10240xf32, #tpu.memory_space<hbm>>
      %dma_wait3A_83 = tpu.memref_squeeze %dma_wait3A_82 : memref<1x10240xf32, #tpu.memory_space<hbm>> -> memref<10240xf32, #tpu.memory_space<hbm>>
      %dma_wait3A_84 = arith.constant 0 : i32
      %dma_wait3A_85 = tpu.memref_slice %arg6[%add3A_69, %dma_wait3A_84] : memref<128x10240xf32, #tpu.memory_space<hbm>> -> memref<1x10240xf32, #tpu.memory_space<hbm>>
      %dma_wait3A_86 = tpu.memref_squeeze %dma_wait3A_85 : memref<1x10240xf32, #tpu.memory_space<hbm>> -> memref<10240xf32, #tpu.memory_space<hbm>>
      %dma_wait3A_87 = arith.constant 30720 : i32
      %dma_wait3A_88 = tpu.memref_slice %arg9[%dma_wait3A_87] : memref<40960xf32, #tpu.memory_space<vmem>> -> memref<10240xf32, #tpu.memory_space<vmem>>
      tpu.wait_dma2 semaphore(%run_scoped3A : memref<!tpu.dma_semaphore, #tpu.memory_space<semaphore_mem>>) src(%dma_wait3A_88 : memref<10240xf32, #tpu.memory_space<vmem>>) dst(%dma_wait3A_86 : memref<10240xf32, #tpu.memory_space<hbm>>)
      tpu.yield
    }) : () -> ()
    return
  }
}

</mosaic_0001>

<sc_bundles>
// kernel: _spmm.3.cloned.1.call-start
scs
__scs_entry_jumppad:
0x0: {  	(pc) =	sbr.rel $0x88, $3  }
0x1: {  	(tag) =	ssettag $0x0;
	lr =	simm.s32 $0x1  }
0x2: {  	[smem:$0x3F9D] =	sst lr;
	_ =	strace $0xD0000000  }
0x3: {  	_ = 	snop  }
0x4: {  	_ = 	snop  }
0x5: {  	_ = 	snop  }
0x6: {  	_ = 	snop  }
0x7: {  	_ = 	snop  }
__scs_overlays_trampoline_lowered:
0x8: {  	[smem:$0x3FAC] =	sst s0  }
0x9: {  	[smem:$0x3FAD] =	sst s1  }
0xa: {  	[smem:$0x3FAE] =	sst s2  }
0xb: {  	[smem:$0x3FAF] =	sst s3  }
0xc: {  	[smem:$0x3FB0] =	sst s4  }
0xd: {  	[smem:$0x3FB1] =	sst s5  }
0xe: {  	[smem:$0x3FB2] =	sst s6  }
0xf: {  	[smem:$0x3FB3] =	sst s7  }
0x10: {  	[smem:$0x3FB4] =	sst s8  }
0x11: {  	[smem:$0x3FB5] =	sst s9;
	s0 =	simm.s32 @!p0 $0x0  }
0x12: {  	s1 =	sld [smem:$0x3F9B];
	s0 =	simm.s32 @p0 $0x1  }
0x13: {  	[smem:$0x3FB6] =	sst s0;
	s0 =	simm.s32 @!p1 $0x0  }
0x14: {  	s2 =	sld [smem:$0x3F9A];
	s0 =	simm.s32 @p1 $0x1  }
0x15: {  	[smem:$0x3FB7] =	sst s0;
	s0 =	simm.s32 @!p2 $0x0  }
0x16: {  	s3 =	sld [smem:$0x3FDB];
	s0 =	simm.s32 @p2 $0x1  }
0x17: {  	s4 =	simm.s32 $0x1BF5;
	[smem:$0x3FB9] =	sst s0  }
0x18: {  	s0 =	sld [smem:$0x3F9C];
	_ =	swait.ge [sflag:s4], $0x0  }
0x19: {  	s7 =	sld [smem:$0x3F9D]  }
0x1a: {  	s8 =	sadd.s32 $0xFFFFE003, lr  }
0x1b: {  	s9 =	sadd.s32 $0xFFFFFEF7, lr;
	s5 =	simm.s32 $0xFFFFFFFF;
	p2 =	slt.u32 s8, $0xFFFFF086  }
0x1c: {  	p1 =	slt.u32 s9, $0xF7A;
	s5 =	simm.s32 @!p2 $0x0  }
0x1d: {  	s5 =	simm.s32 @p1 $0x1;
	p0 =	seq.s32 s7, s2  }
0x1e: {  	s7 =	smul.u32 @!p0 $0xF7A, s2;
	p2 =	seq.s32 @!p0 s5, $0x0  }
0x1f: {  	s9 =	smul.u32 $0xF7A, s1;
	s8 =	simm.s32 @!p0 $0x1BF5;
	p2 =	por !p2, p0  }
0x20: {  	[sflag:s8] =	ssyncset.s32 @!p0 $0xFFFFF086;
	s6 =	sadd.s32 @!p0 s3, s7;
	s7 =	simm.s32 @!p0 $0x108  }
0x21: {  	s3 =	sadd.s32 s3, s9;
	s6 =	sadd.s32 @!p0 $0x88, s6;
	s7 =	simm.s32 @p2 $0x1082  }
0x22: {  	[simem:s7], [sflag:s8] =	dma.local @!p0 [hbm:s6], $0xF7A  }
0x23: {  	s9 =	sor.u32 $0xD0000000, s2;
	s6 =	simm.s32 $0x108;
	_ =	swait.ge @!p0 [sflag:s8], $0x0  }
0x24: {  	s3 =	sadd.s32 $0x88, s3;
	s6 =	simm.s32 @!p1 $0x1082;
	[sflag:s4] =	ssyncset.s32 $0xFFFFF086  }
0x25: {  	[simem:s6], [sflag:s4] =	dma.local [hbm:s3], $0xF7A  }
0x26: {  	[smem:$0x3F9D] =	sst s1;
	(tag) =	ssettag s2;
	_ =	strace s9  }
0x27: {  	s1 =	sld [smem:$0x3FAD]  }
0x28: {  	s2 =	sld [smem:$0x3FAE]  }
0x29: {  	s4 =	sld [smem:$0x3FB0]  }
0x2a: {  	p0 =	seq.s32 s5, $0x0;
	s5 =	sld [smem:$0x3FB1]  }
0x2b: {  	s6 =	sld [smem:$0x3FB2]  }
0x2c: {  	s7 =	sld [smem:$0x3FB3]  }
0x2d: {  	s3 =	simm.s32 $0x108;
	s8 =	sld [smem:$0x3FB4]  }
0x2e: {  	s3 =	simm.s32 @!p0 $0x1082;
	s9 =	sld [smem:$0x3FB5]  }
0x2f: {  	lr =	sadd.s32 s0, s3;
	s0 =	sld [smem:$0x3FAC]  }
0x30: {  	s3 =	sld [smem:$0x3FAF]  }
0x31: {  	[smem:$0x3FB8] =	sst s10  }
0x32: {  	s10 =	sld [smem:$0x3FB6];
	_ =	sdelay $0x3  }
0x33: {  	p0 =	seq.s32 s10, $0x1;
	s10 =	sld [smem:$0x3FB8];
	_ =	sdelay $0x3  }
0x34: {  	[smem:$0x3FB8] =	sst s10  }
0x35: {  	s10 =	sld [smem:$0x3FB7];
	_ =	sdelay $0x3  }
0x36: {  	p1 =	seq.s32 s10, $0x1;
	s10 =	sld [smem:$0x3FB8];
	_ =	sdelay $0x3  }
0x37: {  	[smem:$0x3FB8] =	sst s10  }
0x38: {  	s10 =	sld [smem:$0x3FB9]  }
0x39: {  	_ = 	snop;
	(pc) =	sbr.ind lr, $3  }
0x3a: {  	_ = 	snop  }
0x3b: {  	_ = 	snop  }
0x3c: {  	p2 =	seq.s32 s10, $0x1;
	s10 =	sld [smem:$0x3FB8]  }
0x3d: {  	_ =	shalt  }
0x3e: {  	_ =	shalt  }
0x3f: {  	_ =	shalt  }
0x40: {  	_ =	shalt  }
0x41: {  	_ =	shalt  }
0x42: {  	_ =	shalt  }
0x43: {  	_ =	shalt  }
0x44: {  	_ =	shalt  }
0x45: {  	_ =	shalt  }
0x46: {  	_ =	shalt  }
0x47: {  	_ =	shalt  }
0x48: {  	_ =	shalt  }
0x49: {  	_ =	shalt  }
0x4a: {  	_ =	shalt  }
0x4b: {  	_ =	shalt  }
0x4c: {  	_ =	shalt  }
0x4d: {  	_ =	shalt  }
0x4e: {  	_ =	shalt  }
0x4f: {  	_ =	shalt  }
0x50: {  	_ =	shalt  }
0x51: {  	_ =	shalt  }
0x52: {  	_ =	shalt  }
0x53: {  	_ =	shalt  }
0x54: {  	_ =	shalt  }
0x55: {  	_ =	shalt  }
0x56: {  	_ =	shalt  }
0x57: {  	_ =	shalt  }
0x58: {  	_ =	shalt  }
0x59: {  	_ =	shalt  }
0x5a: {  	_ =	shalt  }
0x5b: {  	_ =	shalt  }
0x5c: {  	_ =	shalt  }
0x5d: {  	_ =	shalt  }
0x5e: {  	_ =	shalt  }
0x5f: {  	_ =	shalt  }
0x60: {  	_ =	shalt  }
0x61: {  	_ =	shalt  }
0x62: {  	_ =	shalt  }
0x63: {  	_ =	shalt  }
0x64: {  	_ =	shalt  }
0x65: {  	_ =	shalt  }
0x66: {  	_ =	shalt  }
0x67: {  	_ =	shalt  }
0x68: {  	_ =	shalt  }
0x69: {  	_ =	shalt  }
0x6a: {  	_ =	shalt  }
0x6b: {  	_ =	shalt  }
0x6c: {  	_ =	shalt  }
0x6d: {  	_ =	shalt  }
0x6e: {  	_ =	shalt  }
0x6f: {  	_ =	shalt  }
0x70: {  	_ =	shalt  }
0x71: {  	_ =	shalt  }
0x72: {  	_ =	shalt  }
0x73: {  	_ =	shalt  }
0x74: {  	_ =	shalt  }
0x75: {  	_ =	shalt  }
0x76: {  	_ =	shalt  }
0x77: {  	_ =	shalt  }
0x78: {  	_ =	shalt  }
0x79: {  	_ =	shalt  }
0x7a: {  	_ =	shalt  }
0x7b: {  	_ =	shalt  }
0x7c: {  	_ =	shalt  }
0x7d: {  	_ =	shalt  }
0x7e: {  	_ =	shalt  }
0x7f: {  	_ =	shalt  }
0x80: {  	_ =	shalt  }
0x81: {  	_ =	shalt  }
0x82: {  	_ =	shalt  }
0x83: {  	_ =	shalt  }
0x84: {  	_ =	shalt  }
0x85: {  	_ =	shalt  }
0x86: {  	_ =	shalt  }
0x87: {  	_ =	shalt  }
.Lfunc_end0:
.L_simem_size_0:
called_computation_lowered:
.L_overlay_start_0:
0x88: {  	s2 =	sld [smem:$0x3FD9]  }
0x89: {  	s3 =	sld [smem:$0x3FFE];
	_ =	sdelay $0x1  }
0x8a: {  	s1 =	srdreg.scid  }
0x8b: {  	s0 =	sand.u32 $0x1, s1  }
0x8c: {  	s18 =	sshll.u32 s0, $0xA;
	s2 =	sadd.s32 s3, s2  }
0x8d: {  	s2 =	sadd.s32 s2, s18  }
0x8e: {  	[smem:$0x3FC4] =	sst s2  }
0x8f: {  	_ = 	snop  }
0x90: {  	s2 =	sld [smem:$0x3FC9]  }
0x91: {  	s19 =	sld [smem:$0x3FC8]  }
0x92: {  	s4 =	sld [smem:$0x3FC7]  }
0x93: {  	s5 =	sld [smem:$0x3FC6]  }
0x94: {  	s6 =	sld [smem:$0x3FD0];
	(tm) =	ssettm $0x1  }
0x95: {  	s7 =	sld [smem:$0x3FFB];
	_ =	sdelay $0x3  }
0x96: {  	_ =	strace s7  }
0x97: {  	s7 =	sld [smem:$0x3FFC];
	_ =	sdelay $0x3  }
0x98: {  	_ =	strace s7  }
0x99: {  	s7 =	sld [smem:$0x3FFD];
	_ =	sdelay $0x3  }
0x9a: {  	_ =	strace s7  }
0x9b: {  	_ =	strace $0x8FFFFFFF  }
0x9c: {  	s20 =	sld [smem:$0x3FDB];
	_ =	sdelay $0x1  }
0x9d: {  	s8 =	simm.s32 $_scs_section_size  }
0x9e: {  	s9 =	simm.s32 $_size__tile_overlayer_lowered;
	s10 =	simm.s32 $_tile_overlayer_lowered  }
0x9f: {  	s23 =	simm.s32 $0x1BFF;
	s22 =	sshll.u32 s10, $0x1;
	s7 =	sadd.s32 s8, s20  }
0xa0: {  	s11 =	simm.s32 $0x0;
	s21 =	sshll.u32 s9, $0x1;
	s9 =	sadd.s32 s22, s7  }
0xa1: {  	[timem:s11], [sflag:s23] =	dma.local [hbm:s9], s21  }
0xa2: {  	_ =	swait.ge [sflag:s23], s21  }
0xa3: {  	s8 =	ssub.s32 $0x0, s21;
	[sflag:s23] =	ssyncset.done $0x0  }
0xa4: {  	[sflag:s23] =	ssyncadd.s32 s8;
	_ =	sdelay $0x1  }
0xa5: {  	s24 =	simm.s32 $0x1B8B  }
0xa6: {  	_ =	swait.ge [sflag:s24], $0x1  }
0xa7: {  	[sflag:s24] =	ssyncset.done $0x0  }
0xa8: {  	s25 =	simm.s32 $0x1B8E;
	[sflag:s24] =	ssyncadd.s32 $0xFFFFFFFF  }
0xa9: {  	s26 =	simm.s32 $execute0_lowered;
	[smem:$0x3FD2] =	sst s25  }
0xaa: {  	s8 =	sshll.u32 s26, $0x1;
	_ =	strace $0x80000046;
	[dreg:$0x1] =	wrdreg $0xFFFFFFFF  }
0xab: {  	s28 =	simm.s32 $_size_execute0_lowered;
	s7 =	sadd.s32 s7, s8;
	[dreg:$0x0] =	wrdreg $0x0  }
0xac: {  	s8 =	sshll.u32 s28, $0x1;
	[dreg:$0x2] =	wrdreg s7  }
0xad: {  	[dreg:$0x3] =	wrdreg s8  }
0xae: {  	[dreg:$0x4] =	wrdreg $0xC0  }
0xaf: {  	_ =	task [dreg:s11], $0x5FFFF  }
0xb0: {  	[dreg:$0x1] =	wrdreg $0xFFFFFFFF  }
0xb1: {  	[dreg:$0x0] =	wrdreg $0x60  }
0xb2: {  	[dreg:$0x2] =	wrdreg s2  }
0xb3: {  	[dreg:$0x3] =	wrdreg s19  }
0xb4: {  	[dreg:$0x4] =	wrdreg s4  }
0xb5: {  	[dreg:$0x5] =	wrdreg s5  }
0xb6: {  	[dreg:$0x6] =	wrdreg s6  }
0xb7: {  	[dreg:$0x7] =	wrdreg $0x9  }
0xb8: {  	_ =	task.clear_ibuf [dreg:s11], $0x8FFFF;
	_ =	strace $0x90000046  }
0xb9: {  	s29 =	simm.s32 $0x9;
	_ =	strace $0x80000048  }
0xba: {  	_ =	swait.ge [sflag:s29], $0x1  }
0xbb: {  	[sflag:s29] =	ssyncadd.s32 $0xFFFFFFFF  }
0xbc: {  	_ =	strace $0x90000048  }
0xbd: {  	_ =	sfence  }
0xbe: {  	s30 =	sld [smem:$0x0];
	_ =	sdelay $0x2  }
0xbf: {  	s31 =	sshll.u32 s1, $0xD;
	s1 =	sshrl.u32 s1, $0x2  }
0xc0: {  	s3 =	sand.u32 $0x4000, s31;
	s1 =	sadd.s32 s1, s30  }
0xc1: {  	s0 =	sor.u32 s3, s0;
	s1 =	sshll.u32 s1, $0x11  }
0xc2: {  	s0 =	sor.u32 s1, s0  }
0xc3: {  	s0 =	sadd.s32 $0x8F2B, s0  }
0xc4: {  	[sflag:s0] =	ssyncadd.remote.s32 $0x1  }
0xc5: {  	_ =	sfence.sel $0xFFFF  }
0xc6: {  	[dreg:$0x0] =	wrdreg $0xFFFFFFFF;
	(pc) =	sbr.abs _section_cstart, $3  }
0xc7: {  	[dreg:$0x1] =	wrdreg $0xFFFFFFFF  }
0xc8: {  	_ =	task.clear_ibuf [dreg:s11], $0x2FFFF;
	_ =	strace $0x9FFFFFFF  }
0xc9: {  	(tm) =	ssettm $0x7FFFFFFF  }
tec
execute0_lowered:
.L_overlay_start_1:
0x0: {  	(tag) =	ssettag $0x1  }
0x1: {  	s0 =	rddreg [dreg:$0x0]  }
0x2: {  	s1 =	rddreg [dreg:$0x1]  }
0x3: {  	s2 =	rddreg [dreg:$0x2]  }
0x4: {  	s4 =	rddreg [dreg:$0x3]  }
0x5: {  	s3 =	srdreg.scid;
	s5 =	stileid.u32  }
0x6: {  	s6 =	rddreg [dreg:$0x4];
	s18 =	simm.s32 $0x80;
	s19 =	simm.s32 $0x400  }
0x7: {  	s12 =	simm.s32 $0x2800;
	s28 =	simm.s32 $0x1BD00;
	s29 =	simm.s32 $0x1  }
0x8: {  	s30 =	simm.s32 $0x5000;
	s31 =	simm.s32 $0xA000;
	s3 =	sand.u32 $0x1, s3  }
0x9: {  	s7 =	smul.u32 $0x14000, s5;
	s5 =	simm.s32 $0x0;
	s24 =	sadd.s32 $0x320, s1  }
0xa: {  	s25 =	sadd.s32 $0x320, s2;
	s26 =	sadd.s32 $0x320, s4;
	[smem:$0x7FF] =	sst s5  }
0xb: {  	s8 =	sshll.u32 s3, $0x9;
	_ =	strace $0x80000047;
	[dreg:$0xa] =	wrdreg s24  }
0xc: {  	s3 =	ssub.s32 $0x2, s3;
	s7 =	sor.u32 s8, s7;
	[dreg:$0xb] =	wrdreg s25  }
0xd: {  	s20 =	sshrl.u32 s3, $0x1;
	[dreg:$0xc] =	wrdreg s26;
	s25 =	simm.s32 $0x18B00  }
0xe: {  	s26 =	simm.s32 $0x1A400;
	s24 =	simm.s32 $0x2;
	s7 =	sshrl.u32 s7, $0x3  }
0xf: {  	s3 =	ssub.s32 s3, s20;
	s20 =	simm.s32 $0x3;
	s21 =	sadd.s32 s0, s7  }
0x10: {  	s22 =	sor.u32 $0x10, s7;
	s9 =	sor.u32 $0x20, s7;
	s10 =	sor.u32 $0x30, s7  }
0x11: {  	s13 =	sadd.s32 s6, s7;
	s17 =	smax.u32 s3, $0x1;
	s3 =	simm.s32 $0xC800  }
.Ltmp0:
0x12: {  	[dreg:$0x6] =	wrdreg s21;
	s11 =	sadd.s32 s0, s22;
	(pc) =	sbr.rel .LBB2_1-.Ltmp0, $4  }
0x13: {  	s23 =	sadd.s32 s0, s9;
	s0 =	sadd.s32 s0, s10;
	s14 =	sadd.s32 s6, s22  }
0x14: {  	s15 =	sadd.s32 s6, s9;
	s16 =	sadd.s32 s6, s10;
	[dreg:$0x7] =	wrdreg s11  }
0x15: {  	s22 =	simm.s32 $0xF000;
	s6 =	simm.s32 $0x0;
	[dreg:$0x8] =	wrdreg s23  }
0x16: {  	v0 =	vimm.f32 $0.0e+00;
	[dreg:$0x9] =	wrdreg s0;
	s0 =	simm.s32 $0x7800;
	s23 =	simm.s32 $0x11800  }
.LBB2_14:
0x17: {  	[hbm4b:s13+s18] =	stream.strided.scatter [tilespmem:s31], [sflag:$0x3], $0x2800, s19, s18, $0x38;
	[tilespmem:$0x1D600] =	vst v63  }
0x18: {  	_ =	swait.ge [sflag:s20], $0x2800  }
0x19: {  	[sflag:s20] =	ssyncset.done $0x0  }
0x1a: {  	[sflag:s20] =	ssyncadd.s32 $0xFFFFD800  }
0x1b: {  	[hbm4b:s14+s18] =	stream.strided.scatter [tilespmem:s3], [sflag:$0x3], $0x2800, s19, s18, $0x38;
	[tilespmem:$0x1D600] =	vst v63  }
0x1c: {  	_ =	swait.ge [sflag:s20], $0x2800  }
0x1d: {  	[sflag:s20] =	ssyncset.done $0x0  }
0x1e: {  	[sflag:s20] =	ssyncadd.s32 $0xFFFFD800  }
0x1f: {  	[hbm4b:s15+s18] =	stream.strided.scatter [tilespmem:s22], [sflag:$0x3], $0x2800, s19, s18, $0x38;
	[tilespmem:$0x1D600] =	vst v63  }
0x20: {  	s6 =	sadd.s32 $0x1, s6;
	_ =	swait.ge [sflag:s20], $0x2800  }
0x21: {  	p0 =	sne.s32 s6, s17;
	[sflag:s20] =	ssyncset.done $0x0  }
.Ltmp1:
0x22: {  	[sflag:s20] =	ssyncadd.s32 $0xFFFFD800;
	(pc) =	sbr.rel @!p0 .LBB2_15-.Ltmp1, $4  }
0x23: {  	[hbm4b:s16+s18] =	stream.strided.scatter [tilespmem:s23], [sflag:$0x3], $0x2800, s19, s18, $0x38;
	[tilespmem:$0x1D600] =	vst v63  }
0x24: {  	_ =	swait.ge [sflag:s20], $0x2800  }
0x25: {  	[sflag:s20] =	ssyncset.done $0x0  }
0x26: {  	[sflag:s20] =	ssyncadd.s32 $0xFFFFD800  }
.LBB2_1:
0x27: {  	s7 =	rddreg [dreg:$0x6]  }
0x28: {  	[tilespmem:s5], [sflag:$0x3] =	stream.strided.gather [hbm4b:s7+s18], $0x2800, s19, s18, $0x38;
	[tilespmem:$0x1D600] =	vst v63  }
0x29: {  	_ =	swait.ge [sflag:s20], $0x2800  }
0x2a: {  	[sflag:s20] =	ssyncset.done $0x0  }
0x2b: {  	s11 =	rddreg [dreg:$0x7];
	[sflag:s20] =	ssyncadd.s32 $0xFFFFD800  }
0x2c: {  	[tilespmem:s12], [sflag:$0x3] =	stream.strided.gather [hbm4b:s11+s18], $0x2800, s19, s18, $0x38;
	[tilespmem:$0x1D600] =	vst v63  }
0x2d: {  	_ =	swait.ge [sflag:s20], $0x2800  }
0x2e: {  	[sflag:s20] =	ssyncset.done $0x0  }
0x2f: {  	[sflag:s20] =	ssyncadd.s32 $0xFFFFD800  }
0x30: {  	s21 =	sand.u32 $0x3FC0, s5;
	v1 =	vld [tilespmem:s5+$0x0]  }
0x31: {  	v2 =	vld [tilespmem:s21+$0x2800];
	_ =	sdelay $0x4  }
0x32: {  	s7 =	simm.s32 $0x5020;
	v1 =	vpack.i.f32.bf16 v2, v1  }
0x33: {  	[tilespmem:s7+$0xFFFFFFE0] =	vst v1  }
0x34: {  	v1 =	vld [tilespmem:s5+$0x10]  }
0x35: {  	v2 =	vld [tilespmem:s5+$0x2810];
	_ =	sdelay $0x4  }
0x36: {  	v1 =	vpack.i.f32.bf16 v2, v1  }
0x37: {  	[tilespmem:s7+$0xFFFFFFF0] =	vst v1  }
0x38: {  	v1 =	vld [tilespmem:s5+$0x20]  }
0x39: {  	v2 =	vld [tilespmem:s5+$0x2820];
	_ =	sdelay $0x4  }
0x3a: {  	v1 =	vpack.i.f32.bf16 v2, v1  }
0x3b: {  	[tilespmem:s7+$0x0] =	vst v1  }
0x3c: {  	v1 =	vld [tilespmem:s5+$0x30]  }
0x3d: {  	v2 =	vld [tilespmem:s5+$0x2830]  }
0x3e: {  	s8 =	simm.s32 $0x0  }
0x3f: {  	s9 =	simm.s32 $0x5060;
	s10 =	simm.s32 $0x0;
	s11 =	simm.s32 $0x0  }
.LBB2_2:
0x40: {  	s8 =	sadd.s32 $0x4, s8;
	s10 =	sadd.s32 $0x40, s10;
	s11 =	sadd.s32 $0x40, s11  }
0x41: {  	p0 =	slt.u32 s8, $0x27C  }
0x42: {  	v1 =	vpack.i.f32.bf16 v2, v1  }
0x43: {  	[tilespmem:s7+$0x10] =	vst v1;
	s7 =	smov.u32 s9  }
0x44: {  	s21 =	sand.u32 $0x3FC0, s11;
	v1 =	vld [tilespmem:s10+$0x0]  }
0x45: {  	v2 =	vld [tilespmem:s21+$0x2800];
	_ =	sdelay $0x4  }
0x46: {  	v1 =	vpack.i.f32.bf16 v2, v1  }
0x47: {  	[tilespmem:s9+$0xFFFFFFE0] =	vst v1  }
0x48: {  	v1 =	vld [tilespmem:s10+$0x10]  }
0x49: {  	v2 =	vld [tilespmem:s10+$0x2810];
	_ =	sdelay $0x4  }
0x4a: {  	v1 =	vpack.i.f32.bf16 v2, v1  }
0x4b: {  	[tilespmem:s9+$0xFFFFFFF0] =	vst v1  }
0x4c: {  	v1 =	vld [tilespmem:s10+$0x20]  }
0x4d: {  	v2 =	vld [tilespmem:s10+$0x2820];
	_ =	sdelay $0x4  }
0x4e: {  	v1 =	vpack.i.f32.bf16 v2, v1  }
.Ltmp2:
0x4f: {  	[tilespmem:s9+$0x0] =	vst v1;
	(pc) =	sbr.rel @p0 .LBB2_2-.Ltmp2, $3  }
0x50: {  	v1 =	vld [tilespmem:s10+$0x30]  }
0x51: {  	v2 =	vld [tilespmem:s10+$0x2830];
	_ =	sdelay $0x1  }
0x52: {  	s9 =	sadd.s32 $0x40, s9  }
0x53: {  	_ =	sdelay $0x1  }
0x54: {  	v1 =	vpack.i.f32.bf16 v2, v1  }
0x55: {  	s8 =	rddreg [dreg:$0x8];
	[tilespmem:s7+$0x10] =	vst v1;
	s7 =	simm.s32 $0x0  }
0x56: {  	[tilespmem:s7], [sflag:$0x3] =	stream.strided.gather [hbm4b:s8+s18], $0x2800, s19, s18, $0x38;
	[tilespmem:$0x1D600] =	vst v63  }
0x57: {  	_ =	swait.ge [sflag:s20], $0x2800  }
0x58: {  	[sflag:s20] =	ssyncset.done $0x0  }
0x59: {  	s11 =	rddreg [dreg:$0x9];
	[sflag:s20] =	ssyncadd.s32 $0xFFFFD800  }
0x5a: {  	[tilespmem:s12], [sflag:$0x3] =	stream.strided.gather [hbm4b:s11+s18], $0x2800, s19, s18, $0x38;
	[tilespmem:$0x1D600] =	vst v63  }
0x5b: {  	_ =	swait.ge [sflag:s20], $0x2800  }
0x5c: {  	[sflag:s20] =	ssyncset.done $0x0  }
0x5d: {  	[sflag:s20] =	ssyncadd.s32 $0xFFFFD800  }
0x5e: {  	s21 =	sand.u32 $0x3FC0, s7;
	v1 =	vld [tilespmem:s7+$0x0]  }
0x5f: {  	v2 =	vld [tilespmem:s21+$0x2800];
	_ =	sdelay $0x4  }
0x60: {  	v1 =	vpack.i.f32.bf16 v2, v1  }
0x61: {  	[tilespmem:s21+$0x7800] =	vst v1  }
0x62: {  	v1 =	vld [tilespmem:s7+$0x10]  }
0x63: {  	v2 =	vld [tilespmem:s7+$0x2810];
	_ =	sdelay $0x4  }
0x64: {  	s9 =	simm.s32 $0x7830;
	v1 =	vpack.i.f32.bf16 v2, v1  }
0x65: {  	[tilespmem:s9+$0xFFFFFFE0] =	vst v1  }
0x66: {  	v1 =	vld [tilespmem:s7+$0x20]  }
0x67: {  	v2 =	vld [tilespmem:s7+$0x2820];
	_ =	sdelay $0x4  }
0x68: {  	v1 =	vpack.i.f32.bf16 v2, v1  }
0x69: {  	[tilespmem:s9+$0xFFFFFFF0] =	vst v1  }
0x6a: {  	v1 =	vld [tilespmem:s7+$0x30]  }
0x6b: {  	v2 =	vld [tilespmem:s7+$0x2830]  }
0x6c: {  	s10 =	simm.s32 $0x0  }
0x6d: {  	s8 =	simm.s32 $0xA020;
	s11 =	simm.s32 $0x7830;
	s21 =	simm.s32 $0x40  }
.LBB2_4:
0x6e: {  	s10 =	sadd.s32 $0x4, s10;
	s7 =	sadd.s32 $0x40, s7;
	s9 =	sadd.s32 $0x40, s9  }
0x6f: {  	p0 =	slt.u32 s10, $0x27C  }
0x70: {  	v1 =	vpack.i.f32.bf16 v2, v1  }
0x71: {  	[tilespmem:s11+$0x0] =	vst v1;
	s11 =	smov.u32 s9  }
0x72: {  	s12 =	sand.u32 $0x3FC0, s7;
	v1 =	vld [tilespmem:s21+$0x0]  }
0x73: {  	v2 =	vld [tilespmem:s12+$0x2800];
	_ =	sdelay $0x4  }
0x74: {  	v1 =	vpack.i.f32.bf16 v2, v1  }
0x75: {  	[tilespmem:s12+$0x7800] =	vst v1  }
0x76: {  	v1 =	vld [tilespmem:s21+$0x10]  }
0x77: {  	v2 =	vld [tilespmem:s21+$0x2810];
	_ =	sdelay $0x4  }
0x78: {  	v1 =	vpack.i.f32.bf16 v2, v1  }
0x79: {  	[tilespmem:s9+$0xFFFFFFE0] =	vst v1  }
0x7a: {  	v1 =	vld [tilespmem:s21+$0x20]  }
0x7b: {  	v2 =	vld [tilespmem:s21+$0x2820];
	_ =	sdelay $0x4  }
0x7c: {  	v1 =	vpack.i.f32.bf16 v2, v1  }
.Ltmp3:
0x7d: {  	[tilespmem:s9+$0xFFFFFFF0] =	vst v1;
	(pc) =	sbr.rel @p0 .LBB2_4-.Ltmp3, $3  }
0x7e: {  	v1 =	vld [tilespmem:s21+$0x30]  }
0x7f: {  	v2 =	vld [tilespmem:s21+$0x2830];
	_ =	sdelay $0x1  }
0x80: {  	s21 =	sadd.s32 $0x40, s21  }
0x81: {  	_ =	sdelay $0x1  }
0x82: {  	v1 =	vpack.i.f32.bf16 v2, v1  }
0x83: {  	[tilespmem:s11+$0x0] =	vst v1  }
0x84: {  	[tilespmem:s8+$0xFFFFFFE0] =	vst v0  }
0x85: {  	[tilespmem:s8+$0x10] =	vst v0  }
0x86: {  	s7 =	simm.s32 $0x0;
	[tilespmem:s8+$0x0] =	vst v0  }
.LBB2_6:
0x87: {  	s7 =	sadd.s32 $0x4, s7  }
0x88: {  	[tilespmem:s8+$0xFFFFFFF0] =	vst v0;
	s8 =	sadd.s32 $0x40, s8;
	p0 =	slt.u32 s7, $0x9FC  }
.Ltmp4:
0x89: {  	[tilespmem:s8+$0xFFFFFFE0] =	vst v0;
	(pc) =	sbr.rel @p0 .LBB2_6-.Ltmp4, $3  }
0x8a: {  	_ =	sdelay $0x1  }
0x8b: {  	[tilespmem:s8+$0x10] =	vst v0  }
0x8c: {  	[tilespmem:s8+$0x0] =	vst v0  }
0x8d: {  	[tilespmem:s8+$0xFFFFFFF0] =	vst v0;
	s21 =	simm.s32 $0x0;
	s7 =	simm.s32 $0x14000  }
0x8e: {  	[tilespmem:s7], [sflag:$0x1] =	stream.linear.gather [hbm4b:s1+s21], $0x1900, $0x38;
	[tilespmem:$0x1D600] =	vst v63  }
0x8f: {  	s8 =	simm.s32 $0x15900  }
0x90: {  	[tilespmem:s8], [sflag:$0x1] =	stream.linear.gather [hbm4b:s2+s21], $0x1900, $0x38;
	[tilespmem:$0x1D600] =	vst v63  }
0x91: {  	s9 =	simm.s32 $0x17200  }
0x92: {  	[tilespmem:s9], [sflag:$0x1] =	stream.linear.gather [hbm4b:s4+s21], $0x1900, $0x38;
	[tilespmem:$0x1D600] =	vst v63  }
0x93: {  	s10 =	rddreg [dreg:$0xa]  }
0x94: {  	[tilespmem:s25], [sflag:$0x2] =	stream.linear.gather [hbm4b:s10+s21], $0x1900, $0x38;
	[tilespmem:$0x1D600] =	vst v63  }
0x95: {  	s11 =	rddreg [dreg:$0xb]  }
0x96: {  	[tilespmem:s26], [sflag:$0x2] =	stream.linear.gather [hbm4b:s11+s21], $0x1900, $0x38;
	[tilespmem:$0x1D600] =	vst v63  }
0x97: {  	s12 =	rddreg [dreg:$0xc]  }
0x98: {  	[tilespmem:s28], [sflag:$0x2] =	stream.linear.gather [hbm4b:s12+s21], $0x1900, $0x38;
	[tilespmem:$0x1D600] =	vst v63  }
0x99: {  	s12 =	simm.s32 $0x2800  }
.LBB2_8:
0x9a: {  	_ =	swait.ge [sflag:s29], $0x1900  }
0x9b: {  	[sflag:s29] =	ssyncset.done $0x0  }
0x9c: {  	[sflag:s29] =	ssyncadd.s32 $0xFFFFE700  }
0x9d: {  	_ =	swait.ge [sflag:s29], $0x1900  }
0x9e: {  	[sflag:s29] =	ssyncset.done $0x0  }
0x9f: {  	[sflag:s29] =	ssyncadd.s32 $0xFFFFE700  }
0xa0: {  	_ =	swait.ge [sflag:s29], $0x1900  }
0xa1: {  	[sflag:s29] =	ssyncset.done $0x0  }
0xa2: {  	s7 =	simm.s32 $0x14040;
	[sflag:s29] =	ssyncadd.s32 $0xFFFFE700  }
0xa3: {  	v1 =	vld [tilespmem:s7+$0x30]  }
0xa4: {  	v3 =	vld [tilespmem:s7+$0xFFFFFFD0]  }
0xa5: {  	v4 =	vld [tilespmem:s7+$0xFFFFFFE0]  }
0xa6: {  	v5 =	vld [tilespmem:s7+$0xFFFFFFF0]  }
0xa7: {  	v6 =	vld [tilespmem:s7+$0x0]  }
0xa8: {  	v7 =	vld [tilespmem:s7+$0x10]  }
0xa9: {  	v8 =	vld [tilespmem:s7+$0x20]  }
0xaa: {  	s8 =	simm.s32 $0x17240;
	v9 =	vld [tilespmem:s7+$0xFFFFFFC0]  }
0xab: {  	v11 =	vld [tilespmem:s8+$0x30]  }
0xac: {  	v19 =	vld [tilespmem:s8+$0xFFFFFFC0]  }
0xad: {  	v20 =	vld [tilespmem:s8+$0xFFFFFFD0]  }
0xae: {  	v21 =	vld [tilespmem:s8+$0xFFFFFFE0]  }
0xaf: {  	v22 =	vld [tilespmem:s8+$0xFFFFFFF0]  }
0xb0: {  	v23 =	vld [tilespmem:s8+$0x0]  }
0xb1: {  	v24 =	vld [tilespmem:s8+$0x10]  }
0xb2: {  	s7 =	simm.s32 $0x15940;
	v25 =	vld [tilespmem:s8+$0x20]  }
0xb3: {  	v10 =	vld [tilespmem:s7+$0x30]  }
0xb4: {  	v26 =	vld [tilespmem:s7+$0xFFFFFFE0]  }
0xb5: {  	v27 =	vld [tilespmem:s7+$0xFFFFFFF0]  }
0xb6: {  	v2 =	vld.idx.msk [tilespmem:v1+s30+$0x0], $0xffff  }
0xb7: {  	v28 =	vld [tilespmem:s7+$0x0]  }
0xb8: {  	v12 =	vld.idx.msk [tilespmem:v3+s30+$0x0], $0xffff  }
0xb9: {  	v13 =	vld.idx.msk [tilespmem:v4+s30+$0x0], $0xffff  }
0xba: {  	v14 =	vld.idx.msk [tilespmem:v5+s30+$0x0], $0xffff  }
0xbb: {  	v15 =	vld.idx.msk [tilespmem:v6+s30+$0x0], $0xffff;
	v16 =	vunpack.i.l.bf16.f32 v2  }
0xbc: {  	v17 =	vld.idx.msk [tilespmem:v9+s30+$0x0], $0xffff;
	v2 =	vunpack.i.u.bf16.f32 v2;
	v16 =	vmul.f32 v16, v11  }
0xbd: {  	v18 =	vld.idx.msk [tilespmem:v7+s30+$0x0], $0xffff;
	v2 =	vmul.f32 v2, v11  }
0xbe: {  	[tilespmem:v10+s31+$0x0] =	vst.idx.add.f32.msk $0xffff, v16  }
0xbf: {  	v46 =	vunpack.i.l.bf16.f32 v13;
	[tilespmem:v10+s3+$0x0] =	vst.idx.add.f32.msk $0xffff, v2  }
0xc0: {  	v48 =	vunpack.i.l.bf16.f32 v14;
	v47 =	vmul.f32 v46, v21;
	v1 =	vld.idx.msk [tilespmem:v1+s0+$0x0], $0xffff  }
0xc1: {  	v45 =	vld.idx.msk [tilespmem:v8+s30+$0x0], $0xffff;
	v51 =	vunpack.i.l.bf16.f32 v15;
	v50 =	vmul.f32 v48, v22  }
0xc2: {  	v13 =	vunpack.i.u.bf16.f32 v13;
	v53 =	vmul.f32 v51, v23;
	[tilespmem:v26+s31+$0x0] =	vst.idx.add.f32.msk $0xffff, v47  }
0xc3: {  	v13 =	vmul.f32 v13, v21;
	[tilespmem:v27+s31+$0x0] =	vst.idx.add.f32.msk $0xffff, v50  }
0xc4: {  	[tilespmem:v28+s31+$0x0] =	vst.idx.add.f32.msk $0xffff, v53  }
0xc5: {  	[tilespmem:v26+s3+$0x0] =	vst.idx.add.f32.msk $0xffff, v13;
	v2 =	vunpack.i.l.bf16.f32 v1  }
0xc6: {  	v4 =	vld.idx.msk [tilespmem:v4+s0+$0x0], $0xffff;
	v1 =	vunpack.i.u.bf16.f32 v1;
	v2 =	vmul.f32 v2, v11  }
0xc7: {  	v1 =	vmul.f32 v1, v11;
	v11 =	vld [tilespmem:s7+$0xFFFFFFC0]  }
0xc8: {  	[tilespmem:v10+s22+$0x0] =	vst.idx.add.f32.msk $0xffff, v2  }
0xc9: {  	v52 =	vunpack.i.u.bf16.f32 v15;
	v2 =	vld [tilespmem:s7+$0x10]  }
0xca: {  	v13 =	vmul.f32 v52, v23;
	[tilespmem:v10+s23+$0x0] =	vst.idx.add.f32.msk $0xffff, v1  }
0xcb: {  	v10 =	vld [tilespmem:s7+$0xFFFFFFD0]  }
0xcc: {  	[tilespmem:v28+s3+$0x0] =	vst.idx.add.f32.msk $0xffff, v13;
	v1 =	vunpack.i.l.bf16.f32 v17  }
0xcd: {  	v17 =	vunpack.i.u.bf16.f32 v17;
	v29 =	vmul.f32 v1, v19;
	v1 =	vld [tilespmem:s7+$0x20]  }
0xce: {  	v54 =	vunpack.i.l.bf16.f32 v18;
	v6 =	vld.idx.msk [tilespmem:v6+s0+$0x0], $0xffff;
	v17 =	vmul.f32 v17, v19  }
0xcf: {  	v49 =	vunpack.i.u.bf16.f32 v14;
	v14 =	vmul.f32 v54, v24;
	[tilespmem:v11+s31+$0x0] =	vst.idx.add.f32.msk $0xffff, v29  }
0xd0: {  	v30 =	vunpack.i.l.bf16.f32 v12;
	[tilespmem:v11+s3+$0x0] =	vst.idx.add.f32.msk $0xffff, v17  }
0xd1: {  	v12 =	vunpack.i.u.bf16.f32 v12;
	v30 =	vmul.f32 v30, v20;
	[tilespmem:v2+s31+$0x0] =	vst.idx.add.f32.msk $0xffff, v14  }
0xd2: {  	v56 =	vunpack.i.l.bf16.f32 v45;
	v12 =	vmul.f32 v12, v20;
	v9 =	vld.idx.msk [tilespmem:v9+s0+$0x0], $0xffff  }
0xd3: {  	v58 =	vunpack.i.u.bf16.f32 v45;
	v57 =	vmul.f32 v56, v25;
	[tilespmem:v10+s31+$0x0] =	vst.idx.add.f32.msk $0xffff, v30  }
0xd4: {  	v59 =	vmul.f32 v58, v25;
	[tilespmem:v10+s3+$0x0] =	vst.idx.add.f32.msk $0xffff, v12  }
0xd5: {  	[tilespmem:v1+s31+$0x0] =	vst.idx.add.f32.msk $0xffff, v57  }
0xd6: {  	v12 =	vmul.f32 v49, v22;
	[tilespmem:v1+s3+$0x0] =	vst.idx.add.f32.msk $0xffff, v59  }
0xd7: {  	v3 =	vld.idx.msk [tilespmem:v3+s0+$0x0], $0xffff  }
0xd8: {  	v55 =	vunpack.i.u.bf16.f32 v18;
	[tilespmem:v27+s3+$0x0] =	vst.idx.add.f32.msk $0xffff, v12  }
0xd9: {  	v12 =	vmul.f32 v55, v24;
	v8 =	vld.idx.msk [tilespmem:v8+s0+$0x0], $0xffff  }
0xda: {  	v5 =	vld.idx.msk [tilespmem:v5+s0+$0x0], $0xffff;
	v60 =	vunpack.i.l.bf16.f32 v9  }
0xdb: {  	v9 =	vunpack.i.u.bf16.f32 v9;
	[tilespmem:v2+s3+$0x0] =	vst.idx.add.f32.msk $0xffff, v12;
	v12 =	vmul.f32 v60, v19  }
0xdc: {  	v9 =	vmul.f32 v9, v19;
	v7 =	vld.idx.msk [tilespmem:v7+s0+$0x0], $0xffff;
	v61 =	vunpack.i.l.bf16.f32 v3  }
0xdd: {  	v3 =	vunpack.i.u.bf16.f32 v3;
	[tilespmem:v11+s22+$0x0] =	vst.idx.add.f32.msk $0xffff, v12;
	v62 =	vmul.f32 v61, v20  }
0xde: {  	v63 =	vunpack.i.l.bf16.f32 v4;
	[tilespmem:v11+s23+$0x0] =	vst.idx.add.f32.msk $0xffff, v9;
	v3 =	vmul.f32 v3, v20  }
0xdf: {  	v4 =	vunpack.i.u.bf16.f32 v4;
	v9 =	vmul.f32 v63, v21;
	[tilespmem:v10+s22+$0x0] =	vst.idx.add.f32.msk $0xffff, v62  }
0xe0: {  	v11 =	vunpack.i.l.bf16.f32 v5;
	[tilespmem:v10+s23+$0x0] =	vst.idx.add.f32.msk $0xffff, v3;
	v3 =	vmul.f32 v4, v21  }
0xe1: {  	[tilespmem:v26+s22+$0x0] =	vst.idx.add.f32.msk $0xffff, v9;
	v4 =	vunpack.i.u.bf16.f32 v5;
	v5 =	vmul.f32 v11, v22  }
0xe2: {  	v9 =	vunpack.i.l.bf16.f32 v6;
	v4 =	vmul.f32 v4, v22;
	[tilespmem:v26+s23+$0x0] =	vst.idx.add.f32.msk $0xffff, v3  }
0xe3: {  	v3 =	vunpack.i.u.bf16.f32 v6;
	v6 =	vmul.f32 v9, v23;
	[tilespmem:v27+s22+$0x0] =	vst.idx.add.f32.msk $0xffff, v5  }
0xe4: {  	v5 =	vunpack.i.l.bf16.f32 v7;
	v3 =	vmul.f32 v3, v23;
	[tilespmem:v27+s23+$0x0] =	vst.idx.add.f32.msk $0xffff, v4  }
0xe5: {  	v4 =	vunpack.i.u.bf16.f32 v7;
	v5 =	vmul.f32 v5, v24;
	[tilespmem:v28+s22+$0x0] =	vst.idx.add.f32.msk $0xffff, v6  }
0xe6: {  	v7 =	vunpack.i.l.bf16.f32 v8;
	v6 =	vunpack.i.u.bf16.f32 v8;
	v11 =	vmul.f32 v4, v24;
	[tilespmem:v28+s23+$0x0] =	vst.idx.add.f32.msk $0xffff, v3  }
0xe7: {  	s9 =	simm.s32 $0x0;
	s10 =	simm.s32 $0x140C0;
	v4 =	vmul.f32 v7, v25;
	v3 =	vmul.f32 v6, v25;
	[tilespmem:v2+s22+$0x0] =	vst.idx.add.f32.msk $0xffff, v5  }
.LBB2_9:
0xe8: {  	v13 =	vld [tilespmem:s10+$0x30]  }
0xe9: {  	v5 =	vld [tilespmem:s10+$0xFFFFFFD0]  }
0xea: {  	s9 =	sadd.s32 $0x8, s9;
	v6 =	vld [tilespmem:s10+$0xFFFFFFE0]  }
0xeb: {  	p0 =	slt.u32 s9, $0x188;
	v8 =	vld [tilespmem:s10+$0xFFFFFFF0]  }
0xec: {  	v9 =	vld [tilespmem:s10+$0x0]  }
0xed: {  	v10 =	vld [tilespmem:s10+$0x10]  }
0xee: {  	v7 =	vld [tilespmem:s10+$0x20]  }
0xef: {  	v12 =	vld [tilespmem:s10+$0xFFFFFFC0]  }
0xf0: {  	s7 =	sadd.s32 $0x80, s7;
	v14 =	vld.idx.msk [tilespmem:v13+s30+$0x0], $0xffff  }
0xf1: {  	s8 =	sadd.s32 $0x80, s8;
	v15 =	vld [tilespmem:s7+$0x30]  }
0xf2: {  	v16 =	vld [tilespmem:s8+$0x30]  }
0xf3: {  	v17 =	vld.idx.msk [tilespmem:v5+s30+$0x0], $0xffff  }
0xf4: {  	v18 =	vld.idx.msk [tilespmem:v6+s30+$0x0], $0xffff  }
0xf5: {  	v19 =	vld.idx.msk [tilespmem:v8+s30+$0x0], $0xffff  }
0xf6: {  	v21 =	vunpack.i.l.bf16.f32 v14;
	v20 =	vld.idx.msk [tilespmem:v9+s30+$0x0], $0xffff  }
0xf7: {  	v14 =	vunpack.i.u.bf16.f32 v14;
	v22 =	vld.idx.msk [tilespmem:v12+s30+$0x0], $0xffff;
	v21 =	vmul.f32 v21, v16  }
0xf8: {  	v14 =	vmul.f32 v14, v16;
	v23 =	vld.idx.msk [tilespmem:v10+s30+$0x0], $0xffff  }
0xf9: {  	v24 =	vunpack.i.u.bf16.f32 v17;
	v17 =	vunpack.i.l.bf16.f32 v17;
	[tilespmem:v15+s31+$0x0] =	vst.idx.add.f32.msk $0xffff, v21  }
0xfa: {  	v21 =	vunpack.i.u.bf16.f32 v18;
	v18 =	vunpack.i.l.bf16.f32 v18;
	[tilespmem:v15+s3+$0x0] =	vst.idx.add.f32.msk $0xffff, v14  }
0xfb: {  	v14 =	vunpack.i.u.bf16.f32 v19;
	v19 =	vunpack.i.l.bf16.f32 v19;
	v25 =	vld.idx.msk [tilespmem:v13+s0+$0x0], $0xffff  }
0xfc: {  	v26 =	vunpack.i.u.bf16.f32 v20;
	v20 =	vunpack.i.l.bf16.f32 v20;
	v27 =	vld.idx.msk [tilespmem:v7+s30+$0x0], $0xffff  }
0xfd: {  	v29 =	vunpack.i.u.bf16.f32 v22;
	v22 =	vunpack.i.l.bf16.f32 v22;
	v28 =	vld [tilespmem:s8+$0xFFFFFFC0]  }
0xfe: {  	v31 =	vunpack.i.u.bf16.f32 v23;
	v23 =	vunpack.i.l.bf16.f32 v23;
	v30 =	vld [tilespmem:s8+$0xFFFFFFD0]  }
0xff: {  	v32 =	vld [tilespmem:s8+$0xFFFFFFE0]  }
0x100: {  	v33 =	vld [tilespmem:s8+$0xFFFFFFF0]  }
0x101: {  	v35 =	vunpack.i.l.bf16.f32 v25;
	v34 =	vld [tilespmem:s8+$0x0]  }
0x102: {  	v25 =	vunpack.i.u.bf16.f32 v25;
	v36 =	vunpack.i.u.bf16.f32 v27;
	v35 =	vmul.f32 v35, v16;
	v13 =	vld [tilespmem:s8+$0x10]  }
0x103: {  	v27 =	vunpack.i.l.bf16.f32 v27;
	v16 =	vmul.f32 v25, v16;
	v22 =	vmul.f32 v22, v28;
	v37 =	vld [tilespmem:s8+$0x20]  }
0x104: {  	v25 =	vmul.f32 v29, v28;
	v17 =	vmul.f32 v17, v30;
	[tilespmem:v15+s22+$0x0] =	vst.idx.add.f32.msk $0xffff, v35  }
0x105: {  	v24 =	vmul.f32 v24, v30;
	v18 =	vmul.f32 v18, v32;
	[tilespmem:v15+s23+$0x0] =	vst.idx.add.f32.msk $0xffff, v16  }
0x106: {  	v16 =	vmul.f32 v21, v32;
	v19 =	vmul.f32 v19, v33;
	v15 =	vld [tilespmem:s7+$0xFFFFFFC0]  }
0x107: {  	v14 =	vmul.f32 v14, v33;
	v20 =	vmul.f32 v20, v34;
	v21 =	vld [tilespmem:s7+$0xFFFFFFD0]  }
0x108: {  	v26 =	vmul.f32 v26, v34;
	v23 =	vmul.f32 v23, v13;
	v29 =	vld [tilespmem:s7+$0xFFFFFFE0]  }
0x109: {  	v31 =	vmul.f32 v31, v13;
	v27 =	vmul.f32 v27, v37;
	v35 =	vld [tilespmem:s7+$0xFFFFFFF0]  }
0x10a: {  	v36 =	vmul.f32 v36, v37;
	v38 =	vld [tilespmem:s7+$0x0]  }
0x10b: {  	v39 =	vld [tilespmem:s7+$0x10]  }
0x10c: {  	v40 =	vld [tilespmem:s7+$0x20]  }
0x10d: {  	[tilespmem:v2+s23+$0x0] =	vst.idx.add.f32.msk $0xffff, v11  }
0x10e: {  	[tilespmem:v15+s31+$0x0] =	vst.idx.add.f32.msk $0xffff, v22  }
0x10f: {  	[tilespmem:v15+s3+$0x0] =	vst.idx.add.f32.msk $0xffff, v25  }
0x110: {  	[tilespmem:v21+s31+$0x0] =	vst.idx.add.f32.msk $0xffff, v17;
	v2 =	vmov v39  }
0x111: {  	[tilespmem:v21+s3+$0x0] =	vst.idx.add.f32.msk $0xffff, v24  }
0x112: {  	[tilespmem:v29+s31+$0x0] =	vst.idx.add.f32.msk $0xffff, v18  }
0x113: {  	[tilespmem:v29+s3+$0x0] =	vst.idx.add.f32.msk $0xffff, v16  }
0x114: {  	[tilespmem:v35+s31+$0x0] =	vst.idx.add.f32.msk $0xffff, v19  }
0x115: {  	[tilespmem:v35+s3+$0x0] =	vst.idx.add.f32.msk $0xffff, v14  }
0x116: {  	[tilespmem:v38+s31+$0x0] =	vst.idx.add.f32.msk $0xffff, v20  }
0x117: {  	[tilespmem:v38+s3+$0x0] =	vst.idx.add.f32.msk $0xffff, v26  }
0x118: {  	[tilespmem:v39+s31+$0x0] =	vst.idx.add.f32.msk $0xffff, v23  }
0x119: {  	[tilespmem:v39+s3+$0x0] =	vst.idx.add.f32.msk $0xffff, v31  }
0x11a: {  	[tilespmem:v40+s31+$0x0] =	vst.idx.add.f32.msk $0xffff, v27  }
0x11b: {  	[tilespmem:v40+s3+$0x0] =	vst.idx.add.f32.msk $0xffff, v36  }
0x11c: {  	v11 =	vld.idx.msk [tilespmem:v12+s0+$0x0], $0xffff  }
0x11d: {  	v5 =	vld.idx.msk [tilespmem:v5+s0+$0x0], $0xffff  }
0x11e: {  	v6 =	vld.idx.msk [tilespmem:v6+s0+$0x0], $0xffff  }
0x11f: {  	v8 =	vld.idx.msk [tilespmem:v8+s0+$0x0], $0xffff  }
0x120: {  	v9 =	vld.idx.msk [tilespmem:v9+s0+$0x0], $0xffff  }
0x121: {  	v10 =	vld.idx.msk [tilespmem:v10+s0+$0x0], $0xffff  }
0x122: {  	v12 =	vunpack.i.u.bf16.f32 v11;
	v11 =	vunpack.i.l.bf16.f32 v11;
	v7 =	vld.idx.msk [tilespmem:v7+s0+$0x0], $0xffff  }
0x123: {  	v11 =	vmul.f32 v11, v28;
	v14 =	vunpack.i.u.bf16.f32 v5;
	v5 =	vunpack.i.l.bf16.f32 v5;
	[tilespmem:v1+s22+$0x0] =	vst.idx.add.f32.msk $0xffff, v4  }
0x124: {  	v4 =	vmul.f32 v12, v28;
	v12 =	vunpack.i.u.bf16.f32 v6;
	v6 =	vunpack.i.l.bf16.f32 v6;
	[tilespmem:v1+s23+$0x0] =	vst.idx.add.f32.msk $0xffff, v3;
	v1 =	vmovc v40  }
0x125: {  	v3 =	vmul.f32 v5, v30;
	v5 =	vunpack.i.u.bf16.f32 v8;
	v8 =	vunpack.i.l.bf16.f32 v8;
	[tilespmem:v15+s22+$0x0] =	vst.idx.add.f32.msk $0xffff, v11  }
0x126: {  	v11 =	vunpack.i.u.bf16.f32 v9;
	v9 =	vunpack.i.l.bf16.f32 v9;
	[tilespmem:v15+s23+$0x0] =	vst.idx.add.f32.msk $0xffff, v4;
	v4 =	vmul.f32 v14, v30  }
0x127: {  	[tilespmem:v21+s22+$0x0] =	vst.idx.add.f32.msk $0xffff, v3;
	v3 =	vmul.f32 v6, v32;
	v6 =	vunpack.i.u.bf16.f32 v10;
	v10 =	vunpack.i.l.bf16.f32 v10  }
0x128: {  	[tilespmem:v21+s23+$0x0] =	vst.idx.add.f32.msk $0xffff, v4;
	v4 =	vmul.f32 v12, v32;
	v12 =	vunpack.i.u.bf16.f32 v7;
	v7 =	vunpack.i.l.bf16.f32 v7  }
0x129: {  	v5 =	vmul.f32 v5, v33;
	[tilespmem:v29+s22+$0x0] =	vst.idx.add.f32.msk $0xffff, v3;
	v3 =	vmul.f32 v8, v33  }
0x12a: {  	v8 =	vmul.f32 v9, v34;
	v9 =	vmul.f32 v11, v34;
	[tilespmem:v29+s23+$0x0] =	vst.idx.add.f32.msk $0xffff, v4  }
.Ltmp5:
0x12b: {  	v10 =	vmul.f32 v10, v13;
	v11 =	vmul.f32 v6, v13;
	[tilespmem:v35+s22+$0x0] =	vst.idx.add.f32.msk $0xffff, v3;
	(pc) =	sbr.rel @p0 .LBB2_9-.Ltmp5, $4  }
0x12c: {  	v4 =	vmul.f32 v7, v37;
	v3 =	vmul.f32 v12, v37;
	[tilespmem:v35+s23+$0x0] =	vst.idx.add.f32.msk $0xffff, v5  }
0x12d: {  	[tilespmem:v38+s22+$0x0] =	vst.idx.add.f32.msk $0xffff, v8  }
0x12e: {  	[tilespmem:v38+s23+$0x0] =	vst.idx.add.f32.msk $0xffff, v9  }
0x12f: {  	s10 =	sadd.s32 $0x80, s10;
	[tilespmem:v2+s22+$0x0] =	vst.idx.add.f32.msk $0xffff, v10  }
0x130: {  	_ = 	snop  }
0x131: {  	p0 =	seq.s32 s21, $0x18  }
0x132: {  	s7 =	smul.u32 @!p0 $0x3200, s21;
	_ =	sdelay $0x1  }
0x133: {  	[tilespmem:v2+s23+$0x0] =	vst.idx.add.f32.msk $0xffff, v11;
	s7 =	sshrl.u32 @!p0 s7, $0x3  }
0x134: {  	[tilespmem:v1+s22+$0x0] =	vst.idx.add.f32.msk $0xffff, v4;
	s7 =	sadd.s32 @!p0 $0x640, s7  }
0x135: {  	[tilespmem:v1+s23+$0x0] =	vst.idx.add.f32.msk $0xffff, v3;
	s9 =	simm.s32 @!p0 $0x0;
	s10 =	simm.s32 @!p0 $0x14000;
	s8 =	sadd.s32 @!p0 s1, s7  }
0x136: {  	[tilespmem:s10], [sflag:$0x1] =	stream.linear.gather @!p0 [hbm4b:s8+s9], $0x1900, $0x38;
	[tilespmem:$0x1D600] =	vst v63  }
0x137: {  	s8 =	sadd.s32 @!p0 s2, s7;
	s10 =	simm.s32 @!p0 $0x15900  }
0x138: {  	[tilespmem:s10], [sflag:$0x1] =	stream.linear.gather @!p0 [hbm4b:s8+s9], $0x1900, $0x38;
	[tilespmem:$0x1D600] =	vst v63  }
0x139: {  	s7 =	sadd.s32 @!p0 s4, s7;
	s8 =	simm.s32 @!p0 $0x17200  }
0x13a: {  	[tilespmem:s8], [sflag:$0x1] =	stream.linear.gather @!p0 [hbm4b:s7+s9], $0x1900, $0x38;
	[tilespmem:$0x1D600] =	vst v63  }
0x13b: {  	_ =	swait.ge [sflag:s24], $0x1900  }
0x13c: {  	[sflag:s24] =	ssyncset.done $0x0  }
0x13d: {  	[sflag:s24] =	ssyncadd.s32 $0xFFFFE700  }
0x13e: {  	_ =	swait.ge [sflag:s24], $0x1900  }
0x13f: {  	[sflag:s24] =	ssyncset.done $0x0  }
0x140: {  	[sflag:s24] =	ssyncadd.s32 $0xFFFFE700  }
0x141: {  	_ =	swait.ge [sflag:s24], $0x1900  }
0x142: {  	[sflag:s24] =	ssyncset.done $0x0  }
0x143: {  	s11 =	simm.s32 $0x18B40;
	[sflag:s24] =	ssyncadd.s32 $0xFFFFE700  }
0x144: {  	v1 =	vld [tilespmem:s11+$0x30]  }
0x145: {  	v3 =	vld [tilespmem:s11+$0xFFFFFFD0]  }
0x146: {  	v4 =	vld [tilespmem:s11+$0xFFFFFFE0]  }
0x147: {  	v5 =	vld [tilespmem:s11+$0xFFFFFFF0]  }
0x148: {  	v6 =	vld [tilespmem:s11+$0x0]  }
0x149: {  	v7 =	vld [tilespmem:s11+$0x10]  }
0x14a: {  	v8 =	vld [tilespmem:s11+$0x20]  }
0x14b: {  	s7 =	simm.s32 $0x1A440;
	v9 =	vld [tilespmem:s11+$0xFFFFFFC0]  }
0x14c: {  	s8 =	simm.s32 $0x1BD40;
	v10 =	vld [tilespmem:s7+$0x30]  }
0x14d: {  	v11 =	vld [tilespmem:s8+$0x30]  }
0x14e: {  	v19 =	vld [tilespmem:s8+$0xFFFFFFC0]  }
0x14f: {  	v20 =	vld [tilespmem:s8+$0xFFFFFFD0]  }
0x150: {  	v21 =	vld [tilespmem:s8+$0xFFFFFFE0]  }
0x151: {  	v22 =	vld [tilespmem:s8+$0xFFFFFFF0]  }
0x152: {  	v23 =	vld [tilespmem:s8+$0x0]  }
0x153: {  	v24 =	vld [tilespmem:s8+$0x10]  }
0x154: {  	v25 =	vld [tilespmem:s8+$0x20]  }
0x155: {  	v26 =	vld [tilespmem:s7+$0xFFFFFFE0]  }
0x156: {  	v27 =	vld [tilespmem:s7+$0xFFFFFFF0]  }
0x157: {  	v2 =	vld.idx.msk [tilespmem:v1+s30+$0x0], $0xffff  }
0x158: {  	v28 =	vld [tilespmem:s7+$0x0]  }
0x159: {  	v12 =	vld.idx.msk [tilespmem:v3+s30+$0x0], $0xffff  }
0x15a: {  	v13 =	vld.idx.msk [tilespmem:v4+s30+$0x0], $0xffff  }
0x15b: {  	v14 =	vld.idx.msk [tilespmem:v5+s30+$0x0], $0xffff  }
0x15c: {  	v15 =	vld.idx.msk [tilespmem:v6+s30+$0x0], $0xffff;
	v16 =	vunpack.i.l.bf16.f32 v2  }
0x15d: {  	v17 =	vld.idx.msk [tilespmem:v9+s30+$0x0], $0xffff;
	v2 =	vunpack.i.u.bf16.f32 v2;
	v16 =	vmul.f32 v16, v11  }
0x15e: {  	v18 =	vld.idx.msk [tilespmem:v7+s30+$0x0], $0xffff;
	v2 =	vmul.f32 v2, v11  }
0x15f: {  	[tilespmem:v10+s31+$0x0] =	vst.idx.add.f32.msk $0xffff, v16  }
0x160: {  	v46 =	vunpack.i.l.bf16.f32 v13;
	[tilespmem:v10+s3+$0x0] =	vst.idx.add.f32.msk $0xffff, v2  }
0x161: {  	v48 =	vunpack.i.l.bf16.f32 v14;
	v47 =	vmul.f32 v46, v21;
	v1 =	vld.idx.msk [tilespmem:v1+s0+$0x0], $0xffff  }
0x162: {  	v45 =	vld.idx.msk [tilespmem:v8+s30+$0x0], $0xffff;
	v51 =	vunpack.i.l.bf16.f32 v15;
	v50 =	vmul.f32 v48, v22  }
0x163: {  	v13 =	vunpack.i.u.bf16.f32 v13;
	v53 =	vmul.f32 v51, v23;
	[tilespmem:v26+s31+$0x0] =	vst.idx.add.f32.msk $0xffff, v47  }
0x164: {  	v13 =	vmul.f32 v13, v21;
	[tilespmem:v27+s31+$0x0] =	vst.idx.add.f32.msk $0xffff, v50  }
0x165: {  	[tilespmem:v28+s31+$0x0] =	vst.idx.add.f32.msk $0xffff, v53  }
0x166: {  	[tilespmem:v26+s3+$0x0] =	vst.idx.add.f32.msk $0xffff, v13;
	v2 =	vunpack.i.l.bf16.f32 v1  }
0x167: {  	v4 =	vld.idx.msk [tilespmem:v4+s0+$0x0], $0xffff;
	v1 =	vunpack.i.u.bf16.f32 v1;
	v2 =	vmul.f32 v2, v11  }
0x168: {  	v1 =	vmul.f32 v1, v11;
	v11 =	vld [tilespmem:s7+$0xFFFFFFC0]  }
0x169: {  	[tilespmem:v10+s22+$0x0] =	vst.idx.add.f32.msk $0xffff, v2  }
0x16a: {  	v52 =	vunpack.i.u.bf16.f32 v15;
	v2 =	vld [tilespmem:s7+$0x10]  }
0x16b: {  	v13 =	vmul.f32 v52, v23;
	[tilespmem:v10+s23+$0x0] =	vst.idx.add.f32.msk $0xffff, v1  }
0x16c: {  	v10 =	vld [tilespmem:s7+$0xFFFFFFD0]  }
0x16d: {  	[tilespmem:v28+s3+$0x0] =	vst.idx.add.f32.msk $0xffff, v13;
	v1 =	vunpack.i.l.bf16.f32 v17  }
0x16e: {  	v17 =	vunpack.i.u.bf16.f32 v17;
	v29 =	vmul.f32 v1, v19;
	v1 =	vld [tilespmem:s7+$0x20]  }
0x16f: {  	v54 =	vunpack.i.l.bf16.f32 v18;
	v6 =	vld.idx.msk [tilespmem:v6+s0+$0x0], $0xffff;
	v17 =	vmul.f32 v17, v19  }
0x170: {  	v49 =	vunpack.i.u.bf16.f32 v14;
	v14 =	vmul.f32 v54, v24;
	[tilespmem:v11+s31+$0x0] =	vst.idx.add.f32.msk $0xffff, v29  }
0x171: {  	v30 =	vunpack.i.l.bf16.f32 v12;
	[tilespmem:v11+s3+$0x0] =	vst.idx.add.f32.msk $0xffff, v17  }
0x172: {  	v12 =	vunpack.i.u.bf16.f32 v12;
	v30 =	vmul.f32 v30, v20;
	[tilespmem:v2+s31+$0x0] =	vst.idx.add.f32.msk $0xffff, v14  }
0x173: {  	v56 =	vunpack.i.l.bf16.f32 v45;
	v12 =	vmul.f32 v12, v20;
	v9 =	vld.idx.msk [tilespmem:v9+s0+$0x0], $0xffff  }
0x174: {  	v58 =	vunpack.i.u.bf16.f32 v45;
	v57 =	vmul.f32 v56, v25;
	[tilespmem:v10+s31+$0x0] =	vst.idx.add.f32.msk $0xffff, v30  }
0x175: {  	v59 =	vmul.f32 v58, v25;
	[tilespmem:v10+s3+$0x0] =	vst.idx.add.f32.msk $0xffff, v12  }
0x176: {  	[tilespmem:v1+s31+$0x0] =	vst.idx.add.f32.msk $0xffff, v57  }
0x177: {  	v12 =	vmul.f32 v49, v22;
	[tilespmem:v1+s3+$0x0] =	vst.idx.add.f32.msk $0xffff, v59  }
0x178: {  	v3 =	vld.idx.msk [tilespmem:v3+s0+$0x0], $0xffff  }
0x179: {  	v55 =	vunpack.i.u.bf16.f32 v18;
	[tilespmem:v27+s3+$0x0] =	vst.idx.add.f32.msk $0xffff, v12  }
0x17a: {  	v12 =	vmul.f32 v55, v24;
	v8 =	vld.idx.msk [tilespmem:v8+s0+$0x0], $0xffff  }
0x17b: {  	v5 =	vld.idx.msk [tilespmem:v5+s0+$0x0], $0xffff;
	v60 =	vunpack.i.l.bf16.f32 v9  }
0x17c: {  	v9 =	vunpack.i.u.bf16.f32 v9;
	[tilespmem:v2+s3+$0x0] =	vst.idx.add.f32.msk $0xffff, v12;
	v12 =	vmul.f32 v60, v19  }
0x17d: {  	v9 =	vmul.f32 v9, v19;
	v7 =	vld.idx.msk [tilespmem:v7+s0+$0x0], $0xffff;
	v61 =	vunpack.i.l.bf16.f32 v3  }
0x17e: {  	v3 =	vunpack.i.u.bf16.f32 v3;
	[tilespmem:v11+s22+$0x0] =	vst.idx.add.f32.msk $0xffff, v12;
	v62 =	vmul.f32 v61, v20  }
0x17f: {  	v63 =	vunpack.i.l.bf16.f32 v4;
	[tilespmem:v11+s23+$0x0] =	vst.idx.add.f32.msk $0xffff, v9;
	v3 =	vmul.f32 v3, v20  }
0x180: {  	v4 =	vunpack.i.u.bf16.f32 v4;
	v9 =	vmul.f32 v63, v21;
	[tilespmem:v10+s22+$0x0] =	vst.idx.add.f32.msk $0xffff, v62  }
0x181: {  	v11 =	vunpack.i.l.bf16.f32 v5;
	[tilespmem:v10+s23+$0x0] =	vst.idx.add.f32.msk $0xffff, v3;
	v3 =	vmul.f32 v4, v21  }
0x182: {  	[tilespmem:v26+s22+$0x0] =	vst.idx.add.f32.msk $0xffff, v9;
	v4 =	vunpack.i.u.bf16.f32 v5;
	v5 =	vmul.f32 v11, v22  }
0x183: {  	v9 =	vunpack.i.l.bf16.f32 v6;
	v4 =	vmul.f32 v4, v22;
	[tilespmem:v26+s23+$0x0] =	vst.idx.add.f32.msk $0xffff, v3  }
0x184: {  	v3 =	vunpack.i.u.bf16.f32 v6;
	v6 =	vmul.f32 v9, v23;
	[tilespmem:v27+s22+$0x0] =	vst.idx.add.f32.msk $0xffff, v5  }
0x185: {  	v5 =	vunpack.i.l.bf16.f32 v7;
	v3 =	vmul.f32 v3, v23;
	[tilespmem:v27+s23+$0x0] =	vst.idx.add.f32.msk $0xffff, v4  }
0x186: {  	v4 =	vunpack.i.u.bf16.f32 v7;
	v5 =	vmul.f32 v5, v24;
	[tilespmem:v28+s22+$0x0] =	vst.idx.add.f32.msk $0xffff, v6  }
0x187: {  	v7 =	vunpack.i.l.bf16.f32 v8;
	v6 =	vunpack.i.u.bf16.f32 v8;
	v11 =	vmul.f32 v4, v24;
	[tilespmem:v28+s23+$0x0] =	vst.idx.add.f32.msk $0xffff, v3  }
0x188: {  	s10 =	simm.s32 $0x18BC0;
	s9 =	simm.s32 $0x0;
	v4 =	vmul.f32 v7, v25;
	v3 =	vmul.f32 v6, v25;
	[tilespmem:v2+s22+$0x0] =	vst.idx.add.f32.msk $0xffff, v5  }
.LBB2_11:
0x189: {  	v13 =	vld [tilespmem:s10+$0x30]  }
0x18a: {  	v5 =	vld [tilespmem:s10+$0xFFFFFFD0]  }
0x18b: {  	s9 =	sadd.s32 $0x8, s9;
	v6 =	vld [tilespmem:s10+$0xFFFFFFE0]  }
0x18c: {  	p1 =	slt.u32 s9, $0x188;
	v8 =	vld [tilespmem:s10+$0xFFFFFFF0]  }
0x18d: {  	v9 =	vld [tilespmem:s10+$0x0]  }
0x18e: {  	v10 =	vld [tilespmem:s10+$0x10]  }
0x18f: {  	v7 =	vld [tilespmem:s10+$0x20]  }
0x190: {  	v12 =	vld [tilespmem:s10+$0xFFFFFFC0]  }
0x191: {  	s7 =	sadd.s32 $0x80, s7;
	v14 =	vld.idx.msk [tilespmem:v13+s30+$0x0], $0xffff  }
0x192: {  	s8 =	sadd.s32 $0x80, s8;
	v15 =	vld [tilespmem:s7+$0x30]  }
0x193: {  	v16 =	vld [tilespmem:s8+$0x30]  }
0x194: {  	v17 =	vld.idx.msk [tilespmem:v5+s30+$0x0], $0xffff  }
0x195: {  	v18 =	vld.idx.msk [tilespmem:v6+s30+$0x0], $0xffff  }
0x196: {  	v19 =	vld.idx.msk [tilespmem:v8+s30+$0x0], $0xffff  }
0x197: {  	v21 =	vunpack.i.l.bf16.f32 v14;
	v20 =	vld.idx.msk [tilespmem:v9+s30+$0x0], $0xffff  }
0x198: {  	v14 =	vunpack.i.u.bf16.f32 v14;
	v22 =	vld.idx.msk [tilespmem:v12+s30+$0x0], $0xffff;
	v21 =	vmul.f32 v21, v16  }
0x199: {  	v14 =	vmul.f32 v14, v16;
	v23 =	vld.idx.msk [tilespmem:v10+s30+$0x0], $0xffff  }
0x19a: {  	v24 =	vunpack.i.u.bf16.f32 v17;
	v17 =	vunpack.i.l.bf16.f32 v17;
	[tilespmem:v15+s31+$0x0] =	vst.idx.add.f32.msk $0xffff, v21  }
0x19b: {  	v21 =	vunpack.i.u.bf16.f32 v18;
	v18 =	vunpack.i.l.bf16.f32 v18;
	[tilespmem:v15+s3+$0x0] =	vst.idx.add.f32.msk $0xffff, v14  }
0x19c: {  	v14 =	vunpack.i.u.bf16.f32 v19;
	v19 =	vunpack.i.l.bf16.f32 v19;
	v25 =	vld.idx.msk [tilespmem:v13+s0+$0x0], $0xffff  }
0x19d: {  	v26 =	vunpack.i.u.bf16.f32 v20;
	v20 =	vunpack.i.l.bf16.f32 v20;
	v27 =	vld.idx.msk [tilespmem:v7+s30+$0x0], $0xffff  }
0x19e: {  	v29 =	vunpack.i.u.bf16.f32 v22;
	v22 =	vunpack.i.l.bf16.f32 v22;
	v28 =	vld [tilespmem:s8+$0xFFFFFFC0]  }
0x19f: {  	v31 =	vunpack.i.u.bf16.f32 v23;
	v23 =	vunpack.i.l.bf16.f32 v23;
	v30 =	vld [tilespmem:s8+$0xFFFFFFD0]  }
0x1a0: {  	v32 =	vld [tilespmem:s8+$0xFFFFFFE0]  }
0x1a1: {  	v33 =	vld [tilespmem:s8+$0xFFFFFFF0]  }
0x1a2: {  	v35 =	vunpack.i.l.bf16.f32 v25;
	v34 =	vld [tilespmem:s8+$0x0]  }
0x1a3: {  	v25 =	vunpack.i.u.bf16.f32 v25;
	v36 =	vunpack.i.u.bf16.f32 v27;
	v35 =	vmul.f32 v35, v16;
	v13 =	vld [tilespmem:s8+$0x10]  }
0x1a4: {  	v27 =	vunpack.i.l.bf16.f32 v27;
	v16 =	vmul.f32 v25, v16;
	v22 =	vmul.f32 v22, v28;
	v37 =	vld [tilespmem:s8+$0x20]  }
0x1a5: {  	v25 =	vmul.f32 v29, v28;
	v17 =	vmul.f32 v17, v30;
	[tilespmem:v15+s22+$0x0] =	vst.idx.add.f32.msk $0xffff, v35  }
0x1a6: {  	v24 =	vmul.f32 v24, v30;
	v18 =	vmul.f32 v18, v32;
	[tilespmem:v15+s23+$0x0] =	vst.idx.add.f32.msk $0xffff, v16  }
0x1a7: {  	v16 =	vmul.f32 v21, v32;
	v19 =	vmul.f32 v19, v33;
	v15 =	vld [tilespmem:s7+$0xFFFFFFC0]  }
0x1a8: {  	v14 =	vmul.f32 v14, v33;
	v20 =	vmul.f32 v20, v34;
	v21 =	vld [tilespmem:s7+$0xFFFFFFD0]  }
0x1a9: {  	v26 =	vmul.f32 v26, v34;
	v23 =	vmul.f32 v23, v13;
	v29 =	vld [tilespmem:s7+$0xFFFFFFE0]  }
0x1aa: {  	v31 =	vmul.f32 v31, v13;
	v27 =	vmul.f32 v27, v37;
	v35 =	vld [tilespmem:s7+$0xFFFFFFF0]  }
0x1ab: {  	v36 =	vmul.f32 v36, v37;
	v38 =	vld [tilespmem:s7+$0x0]  }
0x1ac: {  	v39 =	vld [tilespmem:s7+$0x10]  }
0x1ad: {  	v40 =	vld [tilespmem:s7+$0x20]  }
0x1ae: {  	[tilespmem:v2+s23+$0x0] =	vst.idx.add.f32.msk $0xffff, v11  }
0x1af: {  	[tilespmem:v15+s31+$0x0] =	vst.idx.add.f32.msk $0xffff, v22  }
0x1b0: {  	[tilespmem:v15+s3+$0x0] =	vst.idx.add.f32.msk $0xffff, v25  }
0x1b1: {  	[tilespmem:v21+s31+$0x0] =	vst.idx.add.f32.msk $0xffff, v17;
	v2 =	vmov v39  }
0x1b2: {  	[tilespmem:v21+s3+$0x0] =	vst.idx.add.f32.msk $0xffff, v24  }
0x1b3: {  	[tilespmem:v29+s31+$0x0] =	vst.idx.add.f32.msk $0xffff, v18  }
0x1b4: {  	[tilespmem:v29+s3+$0x0] =	vst.idx.add.f32.msk $0xffff, v16  }
0x1b5: {  	[tilespmem:v35+s31+$0x0] =	vst.idx.add.f32.msk $0xffff, v19  }
0x1b6: {  	[tilespmem:v35+s3+$0x0] =	vst.idx.add.f32.msk $0xffff, v14  }
0x1b7: {  	[tilespmem:v38+s31+$0x0] =	vst.idx.add.f32.msk $0xffff, v20  }
0x1b8: {  	[tilespmem:v38+s3+$0x0] =	vst.idx.add.f32.msk $0xffff, v26  }
0x1b9: {  	[tilespmem:v39+s31+$0x0] =	vst.idx.add.f32.msk $0xffff, v23  }
0x1ba: {  	[tilespmem:v39+s3+$0x0] =	vst.idx.add.f32.msk $0xffff, v31  }
0x1bb: {  	[tilespmem:v40+s31+$0x0] =	vst.idx.add.f32.msk $0xffff, v27  }
0x1bc: {  	[tilespmem:v40+s3+$0x0] =	vst.idx.add.f32.msk $0xffff, v36  }
0x1bd: {  	v11 =	vld.idx.msk [tilespmem:v12+s0+$0x0], $0xffff  }
0x1be: {  	v5 =	vld.idx.msk [tilespmem:v5+s0+$0x0], $0xffff  }
0x1bf: {  	v6 =	vld.idx.msk [tilespmem:v6+s0+$0x0], $0xffff  }
0x1c0: {  	v8 =	vld.idx.msk [tilespmem:v8+s0+$0x0], $0xffff  }
0x1c1: {  	v9 =	vld.idx.msk [tilespmem:v9+s0+$0x0], $0xffff  }
0x1c2: {  	v10 =	vld.idx.msk [tilespmem:v10+s0+$0x0], $0xffff  }
0x1c3: {  	v12 =	vunpack.i.u.bf16.f32 v11;
	v11 =	vunpack.i.l.bf16.f32 v11;
	v7 =	vld.idx.msk [tilespmem:v7+s0+$0x0], $0xffff  }
0x1c4: {  	v11 =	vmul.f32 v11, v28;
	v14 =	vunpack.i.u.bf16.f32 v5;
	v5 =	vunpack.i.l.bf16.f32 v5;
	[tilespmem:v1+s22+$0x0] =	vst.idx.add.f32.msk $0xffff, v4  }
0x1c5: {  	v4 =	vmul.f32 v12, v28;
	v12 =	vunpack.i.u.bf16.f32 v6;
	v6 =	vunpack.i.l.bf16.f32 v6;
	[tilespmem:v1+s23+$0x0] =	vst.idx.add.f32.msk $0xffff, v3;
	v1 =	vmovc v40  }
0x1c6: {  	v3 =	vmul.f32 v5, v30;
	v5 =	vunpack.i.u.bf16.f32 v8;
	v8 =	vunpack.i.l.bf16.f32 v8;
	[tilespmem:v15+s22+$0x0] =	vst.idx.add.f32.msk $0xffff, v11  }
0x1c7: {  	v11 =	vunpack.i.u.bf16.f32 v9;
	v9 =	vunpack.i.l.bf16.f32 v9;
	[tilespmem:v15+s23+$0x0] =	vst.idx.add.f32.msk $0xffff, v4;
	v4 =	vmul.f32 v14, v30  }
0x1c8: {  	[tilespmem:v21+s22+$0x0] =	vst.idx.add.f32.msk $0xffff, v3;
	v3 =	vmul.f32 v6, v32;
	v6 =	vunpack.i.u.bf16.f32 v10;
	v10 =	vunpack.i.l.bf16.f32 v10  }
0x1c9: {  	[tilespmem:v21+s23+$0x0] =	vst.idx.add.f32.msk $0xffff, v4;
	v4 =	vmul.f32 v12, v32;
	v12 =	vunpack.i.u.bf16.f32 v7;
	v7 =	vunpack.i.l.bf16.f32 v7  }
0x1ca: {  	v5 =	vmul.f32 v5, v33;
	[tilespmem:v29+s22+$0x0] =	vst.idx.add.f32.msk $0xffff, v3;
	v3 =	vmul.f32 v8, v33  }
0x1cb: {  	v8 =	vmul.f32 v9, v34;
	v9 =	vmul.f32 v11, v34;
	[tilespmem:v29+s23+$0x0] =	vst.idx.add.f32.msk $0xffff, v4  }
.Ltmp6:
0x1cc: {  	v10 =	vmul.f32 v10, v13;
	v11 =	vmul.f32 v6, v13;
	[tilespmem:v35+s22+$0x0] =	vst.idx.add.f32.msk $0xffff, v3;
	(pc) =	sbr.rel @p1 .LBB2_11-.Ltmp6, $4  }
0x1cd: {  	v4 =	vmul.f32 v7, v37;
	v3 =	vmul.f32 v12, v37;
	[tilespmem:v35+s23+$0x0] =	vst.idx.add.f32.msk $0xffff, v5  }
0x1ce: {  	[tilespmem:v38+s22+$0x0] =	vst.idx.add.f32.msk $0xffff, v8  }
0x1cf: {  	[tilespmem:v38+s23+$0x0] =	vst.idx.add.f32.msk $0xffff, v9  }
0x1d0: {  	s10 =	sadd.s32 $0x80, s10;
	[tilespmem:v2+s22+$0x0] =	vst.idx.add.f32.msk $0xffff, v10  }
0x1d1: {  	_ =	sdelay $0x1  }
.Ltmp7:
0x1d2: {  	_ = 	snop;
	(pc) =	sbr.rel @p0 .LBB2_14-.Ltmp7, $4  }
0x1d3: {  	_ = 	snop  }
0x1d4: {  	[tilespmem:v2+s23+$0x0] =	vst.idx.add.f32.msk $0xffff, v11  }
0x1d5: {  	[tilespmem:v1+s22+$0x0] =	vst.idx.add.f32.msk $0xffff, v4  }
0x1d6: {  	[tilespmem:v1+s23+$0x0] =	vst.idx.add.f32.msk $0xffff, v3  }
0x1d7: {  	s7 =	smul.u32 $0x3200, s21;
	_ =	sdelay $0x1  }
0x1d8: {  	s7 =	sshrl.u32 s7, $0x3  }
0x1d9: {  	s7 =	sadd.s32 $0x960, s7  }
0x1da: {  	s8 =	sadd.s32 s1, s7  }
0x1db: {  	[tilespmem:s25], [sflag:$0x2] =	stream.linear.gather [hbm4b:s8+s5], $0x1900, $0x38;
	[tilespmem:$0x1D600] =	vst v63  }
.Ltmp8:
0x1dc: {  	_ = 	snop;
	(pc) =	sbr.rel .LBB2_8-.Ltmp8, $4  }
0x1dd: {  	s11 =	sadd.s32 s2, s7  }
0x1de: {  	[tilespmem:s26], [sflag:$0x2] =	stream.linear.gather [hbm4b:s11+s5], $0x1900, $0x38;
	[tilespmem:$0x1D600] =	vst v63  }
0x1df: {  	s21 =	sadd.s32 $0x1, s21;
	s7 =	sadd.s32 s4, s7  }
0x1e0: {  	[tilespmem:s28], [sflag:$0x2] =	stream.linear.gather [hbm4b:s7+s5], $0x1900, $0x38;
	[tilespmem:$0x1D600] =	vst v63  }
.LBB2_15:
0x1e1: {  	_ =	sfence.sel $0x180000  }
0x1e2: {  	[bflag:$0x0] =	sbarrier.arrive $0xFFFF  }
0x1e3: {  	_ =	strace $0x90000047  }
0x1e4: {  	s0 =	stileid.u32;
	[bflag:$0x2] =	sbarrier.arrive $0xFFFF  }
0x1e5: {  	p0 =	sne.s32 s0, $0x0;
	s0 =	rddreg [dreg:$0x5]  }
0x1e6: {  	s0 =	sadd.s32 @!p0 $0x100000, s0  }
0x1e7: {  	[sflag:s0] =	ssyncadd.tile.s32 @!p0 $0x1;
	_ =	shalt  }
.Lfunc_end2:
_tile_overlayer_lowered:
.L_overlay_start_2:
0x1e8: {  	(tag) =	ssettag $0x2  }
0x1e9: {  	s0 =	rddreg [dreg:$0x0];
	s2 =	stileid.u32  }
0x1ea: {  	s1 =	rddreg [dreg:$0x1];
	p0 =	sne.s32 s2, $0x0  }
0x1eb: {  	s3 =	rddreg [dreg:$0x2];
	[bflag:$0x3] =	sbarrier.arrive $0xFFFF;
	s2 =	simm.s32 @!p0 $0x1C03  }
0x1ec: {  	[timem:s3], [sflag:s2] =	dma.local @!p0 [hbm:s0], s1  }
0x1ed: {  	s0 =	simm.s32 @!p0 $0x3  }
0x1ee: {  	_ =	swait.ge @!p0 [sflag:s0], s1  }
0x1ef: {  	s1 =	ssub.s32 @!p0 $0x0, s1;
	[sflag:s0] =	ssyncset.done @!p0 $0x0  }
0x1f0: {  	[sflag:s0] =	ssyncadd.s32 @!p0 s1  }
0x1f1: {  	[bflag:$0x3] =	sbarrier.arrive $0xFFFF  }
0x1f2: {  	_ =	shalt  }

</sc_bundles>
